<compile_context>
chip_gen: v7x
topology: tpu7x:2x2x1
jax: 0.10.2.dev20260603
libtpu: 0.0.44.dev20260713+nightly
codegen_flags: <defaults>
</compile_context>

<pallas_src>
import functools

import jax
import jax.numpy as jnp
from jax import lax
from jax.experimental import pallas as pl
from jax.experimental.pallas import tpu as pltpu
from jax.experimental.pallas import tpu_sc as plsc

NUM_GRAPHS = 64

NC = 2
NS = 16
NW = NC * NS

CHUNK = 64


def _sc_edge_scatter(h_hbm, src_hbm, dst_hbm, z_hbm, p0_hbm, p1_hbm,
                     acc_sh, sidx_v, didx_v, rows_v, sems,
                     *, n_acc, n0, n1):
    cid = lax.axis_index("c")
    sid = lax.axis_index("s")

    rpt = n_acc // NS
    rz = pl.multiple_of(sid * rpt, 8)
    pltpu.sync_copy(z_hbm.at[pl.ds(rz, rpt)], acc_sh.at[pl.ds(rz, rpt)])
    plsc.subcore_barrier()

    nchunk = jnp.where(cid == 0, n0, n1)
    base = jnp.where(cid == 0, sid * n0, NS * n0 + sid * n1) * CHUNK

    def off(j):
        jc = jnp.minimum(j, nchunk - 1)
        return pl.multiple_of(base + jc * CHUNK, CHUNK)

    def gather(b):
        return pltpu.make_async_copy(h_hbm.at[sidx_v[b]], rows_v[b], sems[b])

    pltpu.sync_copy(src_hbm.at[pl.ds(off(0), CHUNK)], sidx_v[0])
    gather(0).start()

    def pair_body(i, _):
        j0 = 2 * i
        pltpu.sync_copy(src_hbm.at[pl.ds(off(j0 + 1), CHUNK)], sidx_v[1])
        gather(1).start()
        pltpu.sync_copy(dst_hbm.at[pl.ds(off(j0), CHUNK)], didx_v[0])
        gather(0).wait()
        pltpu.sync_copy(rows_v[0], acc_sh.at[didx_v[0]], add=True)
        pltpu.sync_copy(src_hbm.at[pl.ds(off(j0 + 2), CHUNK)], sidx_v[0])
        gather(0).start()
        pltpu.sync_copy(dst_hbm.at[pl.ds(off(j0 + 1), CHUNK)], didx_v[1])
        gather(1).wait()
        pltpu.sync_copy(rows_v[1], acc_sh.at[didx_v[1]], add=True)
        return 0

    lax.fori_loop(0, nchunk // 2, pair_body, 0)
    gather(0).wait()
    plsc.subcore_barrier()

    @pl.when(cid == 0)
    def _():
        pltpu.sync_copy(acc_sh.at[pl.ds(rz, rpt)], p0_hbm.at[pl.ds(rz, rpt)])

    @pl.when(cid == 1)
    def _():
        pltpu.sync_copy(acc_sh.at[pl.ds(rz, rpt)], p1_hbm.at[pl.ds(rz, rpt)])


def _tc_finish(h_ref, p0_ref, p1_ref, b_ref, w_ref, o_ref, *, n):
    out0 = h_ref[...] + p0_ref[0:n, :] + p1_ref[0:n, :]
    b = b_ref[...]
    gids = lax.broadcasted_iota(jnp.int32, (1, NUM_GRAPHS), 1)
    oh = (b == gids).astype(jnp.float32)
    dn_t = (((0,), (0,)), ((), ()))
    sums = lax.dot_general(oh, out0, dn_t,
                           preferred_element_type=jnp.float32)
    ones_col = jnp.ones_like(b, dtype=jnp.float32)
    counts = lax.dot_general(oh, ones_col, dn_t,
                             preferred_element_type=jnp.float32)
    vn = sums / jnp.maximum(counts, 1.0)
    dn = (((1,), (0,)), ((), ()))
    out1 = out0 + lax.dot_general(oh, vn, dn,
                                  preferred_element_type=jnp.float32)
    o_ref[...] = jnp.maximum(
        lax.dot_general(out1, w_ref[...], dn,
                        preferred_element_type=jnp.float32), 0.0)


def kernel(H, edge_index, batch, W):
    N, D = H.shape
    E = edge_index.shape[1]

    total = 2 * ((E + NS * CHUNK * 2 - 1) // (NS * CHUNK * 2))
    n0 = 2 * int(round(total * 0.42 / 2))
    n1 = total - n0
    e_pad = NS * total * CHUNK
    n_acc = ((N + 1 + NS * 8 - 1) // (NS * 8)) * (NS * 8)
    pad = e_pad - E
    src = jnp.concatenate(
        [edge_index[0], jnp.zeros((pad,), jnp.int32)]).astype(jnp.int32)
    dst = jnp.concatenate(
        [edge_index[1], jnp.full((pad,), N, jnp.int32)]).astype(jnp.int32)
    zeros = jnp.zeros((n_acc, D), jnp.float32)

    mesh = plsc.VectorSubcoreMesh(core_axis_name="c", subcore_axis_name="s")
    sc_fn = pl.kernel(
        functools.partial(_sc_edge_scatter, n_acc=n_acc, n0=n0, n1=n1),
        out_type=(
            jax.ShapeDtypeStruct((n_acc, D), jnp.float32),
            jax.ShapeDtypeStruct((n_acc, D), jnp.float32),
        ),
        mesh=mesh,
        scratch_types=[
            pltpu.VMEM_SHARED((n_acc, D), jnp.float32),
            [pltpu.VMEM((CHUNK,), jnp.int32) for _ in range(2)],
            [pltpu.VMEM((CHUNK,), jnp.int32) for _ in range(2)],
            [pltpu.VMEM((CHUNK, D), jnp.float32) for _ in range(2)],
            [pltpu.SemaphoreType.DMA for _ in range(2)],
        ],
    )
    p0, p1 = sc_fn(H, src, dst, zeros)

    out = pl.pallas_call(
        functools.partial(_tc_finish, n=N),
        out_shape=jax.ShapeDtypeStruct((N, D), jnp.float32),
    )(H, p0, p1, batch.astype(jnp.int32).reshape(N, 1), W)
    return out

# --- scband reference (transcript-rebuilt; emitter-appended) ---
"""Pipeline reference for scband-gcnlayer-with-virtual-node-30116310679887 (READ-ONLY COPY).

The authoritative reference and input builder live on the scoring server;
editing this copy changes nothing except your own understanding.
"""

import jax, jax.numpy as jnp
import numpy as np

N = 10000
E = 320000
D_IN = 128
D_OUT = 128
NUM_GRAPHS = 64


def setup_inputs(seed: int = 0) -> dict:
    key = jax.random.key(seed)
    k1, k2, k3, k4 = jax.random.split(key, 4)
    H = jax.random.normal(k1, (N, D_IN), dtype=jnp.float32)
    edge_index = jax.random.randint(k2, (2, E), 0, N)
    batch = jnp.sort(jax.random.randint(k3, (N,), 0, NUM_GRAPHS))
    # Kaiming-normal init of W (fan_in = D_IN)
    W = jax.random.normal(k4, (D_IN, D_OUT), dtype=jnp.float32) * np.sqrt(2.0 / D_IN)
    return {"H": H, "edge_index": edge_index, "batch": batch, "W": W}


def reference(H, edge_index, batch, W):
    # out = H + scatter_add(H[src] -> dst)
    msgs = jnp.take(H, edge_index[0], axis=0)
    new_H = jax.ops.segment_sum(msgs, edge_index[1], num_segments=H.shape[0])
    out = H + new_H
    # virtual node message: scatter_mean over per-graph batch assignment
    sums = jax.ops.segment_sum(out, batch, num_segments=NUM_GRAPHS)
    counts = jax.ops.segment_sum(jnp.ones((out.shape[0], 1), dtype=out.dtype), batch, num_segments=NUM_GRAPHS)
    vn_msg = sums / jnp.clip(counts, 1.0)
    # broadcast virtual node message back to nodes
    out = out + jnp.take(vn_msg, batch, axis=0)
    out = out @ W
    out = jax.nn.relu(out)
    return out

if __name__ == "__main__":
    import jax
    _d = setup_inputs()
    print(jax.jit(kernel)(*tuple(_d.values())))

</pallas_src>

<mosaic_0001>
#map = affine_map<(d0, d1) -> (0, 0)>
#map1 = affine_map<(d0, d1) -> (0)>
module attributes {stable_mosaic.version = 14 : i64} {
  func.func @_sc_edge_scatter(%arg0: i32, %arg1: i32, %arg2: memref<10000x128xf32, #tpu.memory_space<hbm>>, %arg3: memref<321536xi32, #tpu.memory_space<hbm>>, %arg4: memref<321536xi32, #tpu.memory_space<hbm>>, %arg5: memref<10112x128xf32, #tpu.memory_space<hbm>>, %arg6: memref<10112x128xf32, #tpu.memory_space<hbm>>, %arg7: memref<10112x128xf32, #tpu.memory_space<hbm>>, %arg8: memref<10112x128xf32, #tpu.memory_space<vmem_shared>>, %arg9: memref<64xi32, #tpu.memory_space<vmem>>, %arg10: memref<64xi32, #tpu.memory_space<vmem>>, %arg11: memref<64xi32, #tpu.memory_space<vmem>>, %arg12: memref<64xi32, #tpu.memory_space<vmem>>, %arg13: memref<64x128xf32, #tpu.memory_space<vmem>>, %arg14: memref<64x128xf32, #tpu.memory_space<vmem>>, %arg15: memref<!tpu.dma_semaphore, #tpu.memory_space<semaphore_mem>>, %arg16: memref<!tpu.dma_semaphore, #tpu.memory_space<semaphore_mem>>) attributes {dimension_semantics = [#tpu.dimension_semantics<core_parallel>, #tpu.dimension_semantics<subcore_parallel>], iteration_bounds = array<i64: 2, 16>, scalar_prefetch = 0 : i64, scratch_operands = 9 : i64, tpu.core_type = #tpu.core_type<sc_vector_subcore>, window_params = [{transform_indices = #map}, {transform_indices = #map1}, {transform_indices = #map1}, {transform_indices = #map}, {transform_indices = #map}, {transform_indices = #map}]} {
    %mul3A = arith.constant 632 : i32
    %mul3A_0 = arith.muli %arg1, %mul3A : i32
    %multiple_of3A = tpu.assume_multiple %mul3A_0, 8 : i32
    "tpu.region"() ({
      %run_scoped3A = tpu.sem_alloc : memref<!tpu.dma_semaphore, #tpu.memory_space<semaphore_mem>>
      %dma_start3A_62 = arith.constant 0 : i32
      %dma_start3A_63 = tpu.memref_slice %arg8[%multiple_of3A, %dma_start3A_62] : memref<10112x128xf32, #tpu.memory_space<vmem_shared>> -> memref<632x128xf32, #tpu.memory_space<vmem_shared>>
      %dma_start3A_64 = arith.constant 0 : i32
      %dma_start3A_65 = tpu.memref_slice %arg5[%multiple_of3A, %dma_start3A_64] : memref<10112x128xf32, #tpu.memory_space<hbm>> -> memref<632x128xf32, #tpu.memory_space<hbm>>
      tpu.enqueue_dma source(%dma_start3A_65 : memref<632x128xf32, #tpu.memory_space<hbm>>) target(%dma_start3A_63 : memref<632x128xf32, #tpu.memory_space<vmem_shared>>) target_semaphore(%run_scoped3A : memref<!tpu.dma_semaphore, #tpu.memory_space<semaphore_mem>>)
      %dma_wait3A_66 = arith.constant 0 : i32
      %dma_wait3A_67 = tpu.memref_slice %arg8[%multiple_of3A, %dma_wait3A_66] : memref<10112x128xf32, #tpu.memory_space<vmem_shared>> -> memref<632x128xf32, #tpu.memory_space<vmem_shared>>
      %dma_wait3A_68 = arith.constant 0 : i32
      %dma_wait3A_69 = tpu.memref_slice %arg5[%multiple_of3A, %dma_wait3A_68] : memref<10112x128xf32, #tpu.memory_space<hbm>> -> memref<632x128xf32, #tpu.memory_space<hbm>>
      tpu.wait_dma2 semaphore(%run_scoped3A : memref<!tpu.dma_semaphore, #tpu.memory_space<semaphore_mem>>) src(%dma_wait3A_69 : memref<632x128xf32, #tpu.memory_space<hbm>>) dst(%dma_wait3A_67 : memref<632x128xf32, #tpu.memory_space<vmem_shared>>)
      tpu.yield
    }) : () -> ()
    %barrier3A = arith.constant 0 : index
    tpu.barrier barrier_id(%barrier3A)
    %eq3A = arith.constant 0 : i32
    %eq3A_1 = arith.cmpi eq, %arg0, %eq3A : i32
    %jit3A = arith.constant 132 : i32
    %jit3A_2 = arith.constant 182 : i32
    %select_n3A = arith.select %eq3A_1, %jit3A, %jit3A_2 : i32
    %eq3A_3 = arith.constant 0 : i32
    %eq3A_4 = arith.cmpi eq, %arg0, %eq3A_3 : i32
    %mul3A_5 = arith.constant 132 : i32
    %mul3A_6 = arith.muli %arg1, %mul3A_5 : i32
    %mul3A_7 = arith.constant 182 : i32
    %mul3A_8 = arith.muli %arg1, %mul3A_7 : i32
    %add3A = arith.constant 2112 : i32
    %add3A_9 = arith.addi %add3A, %mul3A_8 : i32
    %select_n3A_10 = arith.select %eq3A_4, %mul3A_6, %add3A_9 : i32
    %mul3A_11 = arith.constant 64 : i32
    %mul3A_12 = arith.muli %select_n3A_10, %mul3A_11 : i32
    %sub3A = arith.constant 1 : i32
    %sub3A_13 = arith.subi %select_n3A, %sub3A : i32
    %min3A = arith.constant 0 : i32
    %min3A_14 = arith.minsi %min3A, %sub3A_13 : i32
    %mul3A_15 = arith.constant 64 : i32
    %mul3A_16 = arith.muli %min3A_14, %mul3A_15 : i32
    %add3A_17 = arith.addi %mul3A_12, %mul3A_16 : i32
    %multiple_of3A_18 = tpu.assume_multiple %add3A_17, 64 : i32
    "tpu.region"() ({
      %run_scoped3A = tpu.sem_alloc : memref<!tpu.dma_semaphore, #tpu.memory_space<semaphore_mem>>
      %dma_start3A_62 = tpu.memref_slice %arg3[%multiple_of3A_18] : memref<321536xi32, #tpu.memory_space<hbm>> -> memref<64xi32, #tpu.memory_space<hbm>>
      %dma_start3A_63 = tpu.memref_slice %arg3[%multiple_of3A_18] : memref<321536xi32, #tpu.memory_space<hbm>> -> memref<64xi32, #tpu.memory_space<hbm>>
      tpu.enqueue_dma source(%dma_start3A_63 : memref<64xi32, #tpu.memory_space<hbm>>) target(%arg9 : memref<64xi32, #tpu.memory_space<vmem>>) target_semaphore(%run_scoped3A : memref<!tpu.dma_semaphore, #tpu.memory_space<semaphore_mem>>)
      %dma_wait3A_64 = tpu.memref_slice %arg3[%multiple_of3A_18] : memref<321536xi32, #tpu.memory_space<hbm>> -> memref<64xi32, #tpu.memory_space<hbm>>
      %dma_wait3A_65 = tpu.memref_slice %arg3[%multiple_of3A_18] : memref<321536xi32, #tpu.memory_space<hbm>> -> memref<64xi32, #tpu.memory_space<hbm>>
      tpu.wait_dma2 semaphore(%run_scoped3A : memref<!tpu.dma_semaphore, #tpu.memory_space<semaphore_mem>>) src(%dma_wait3A_65 : memref<64xi32, #tpu.memory_space<hbm>>) dst(%arg9 : memref<64xi32, #tpu.memory_space<vmem>>)
      tpu.yield
    }) : () -> ()
    %dma_start3A = arith.constant 0 : i32
    %dma_start3A_19 = arith.constant 0 : i32
    %dma_start3A_20 = tpu.memref_slice %arg2[%dma_start3A, %dma_start3A_19] : memref<10000x128xf32, #tpu.memory_space<hbm>> -> memref<10000x128xf32, #tpu.memory_space<hbm>>
    tpu.enqueue_indirect_dma source(%dma_start3A_20 : memref<10000x128xf32, #tpu.memory_space<hbm>>) target(%arg13 : memref<64x128xf32, #tpu.memory_space<vmem>>) offsets(%arg9 : memref<64xi32, #tpu.memory_space<vmem>>) semaphore(%arg15 : memref<!tpu.dma_semaphore, #tpu.memory_space<semaphore_mem>>)
    %jit3A_21 = arith.constant 2 : i32
    %div3A = arith.divsi %select_n3A, %jit3A_21 : i32
    %sign3A = arith.constant 0 : i32
    %sign3A_22 = arith.cmpi sgt, %select_n3A, %sign3A : i32
    %sign3A_23 = arith.extui %sign3A_22 : i1 to i32
    %sign3A_24 = arith.constant 0 : i32
    %sign3A_25 = arith.cmpi slt, %select_n3A, %sign3A_24 : i32
    %sign3A_26 = arith.extui %sign3A_25 : i1 to i32
    %sign3A_27 = arith.subi %sign3A_23, %sign3A_26 : i32
    %sign3A_28 = arith.constant 0 : i32
    %sign3A_29 = arith.cmpi sgt, %jit3A_21, %sign3A_28 : i32
    %sign3A_30 = arith.extui %sign3A_29 : i1 to i32
    %sign3A_31 = arith.constant 0 : i32
    %sign3A_32 = arith.cmpi slt, %jit3A_21, %sign3A_31 : i32
    %sign3A_33 = arith.extui %sign3A_32 : i1 to i32
    %sign3A_34 = arith.subi %sign3A_30, %sign3A_33 : i32
    %ne3A = arith.cmpi ne, %sign3A_27, %sign3A_34 : i32
    %rem3A = arith.remsi %select_n3A, %jit3A_21 : i32
    %ne3A_35 = arith.constant 0 : i32
    %ne3A_36 = arith.cmpi ne, %rem3A, %ne3A_35 : i32
    %and3A = arith.andi %ne3A, %ne3A_36 : i1
    %sub3A_37 = arith.constant 1 : i32
    %sub3A_38 = arith.subi %div3A, %sub3A_37 : i32
    %select_n3A_39 = arith.select %and3A, %sub3A_38, %div3A : i32
    %while3A = arith.constant 0 : i32
    %while3A_40 = arith.constant 0 : i32
    %while3A_41 = arith.subi %select_n3A_39, %while3A : i32
    %while3A_42 = arith.addi %while3A, %while3A_41 : i32
    %while3A_43 = arith.constant 1 : i32
    %while3A_44 = arith.divsi %while3A_41, %while3A_43 : i32
    %while3A_45 = arith.muli %while3A_44, %while3A_43 : i32
    %while3A_46 = arith.addi %while3A, %while3A_45 : i32
    %while3A_47 = arith.constant 1 : i32
    %while3A_48 = scf.for %while3A_62 = %while3A to %while3A_46 step %while3A_47 iter_args(%while3A_63 = %while3A_40) -> (i32)  : i32 {
      %mul3A_64 = arith.constant 2 : i32
      %mul3A_65 = arith.muli %mul3A_64, %while3A_62 : i32
      %add3A_66 = arith.constant 1 : i32
      %add3A_67 = arith.addi %mul3A_65, %add3A_66 : i32
      %sub3A_68 = arith.constant 1 : i32
      %sub3A_69 = arith.subi %select_n3A, %sub3A_68 : i32
      %min3A_70 = arith.minsi %add3A_67, %sub3A_69 : i32
      %mul3A_71 = arith.constant 64 : i32
      %mul3A_72 = arith.muli %min3A_70, %mul3A_71 : i32
      %add3A_73 = arith.addi %mul3A_12, %mul3A_72 : i32
      %multiple_of3A_74 = tpu.assume_multiple %add3A_73, 64 : i32
      "tpu.region"() ({
        %run_scoped3A = tpu.sem_alloc : memref<!tpu.dma_semaphore, #tpu.memory_space<semaphore_mem>>
        %dma_start3A_113 = tpu.memref_slice %arg3[%multiple_of3A_74] : memref<321536xi32, #tpu.memory_space<hbm>> -> memref<64xi32, #tpu.memory_space<hbm>>
        %dma_start3A_114 = tpu.memref_slice %arg3[%multiple_of3A_74] : memref<321536xi32, #tpu.memory_space<hbm>> -> memref<64xi32, #tpu.memory_space<hbm>>
        tpu.enqueue_dma source(%dma_start3A_114 : memref<64xi32, #tpu.memory_space<hbm>>) target(%arg10 : memref<64xi32, #tpu.memory_space<vmem>>) target_semaphore(%run_scoped3A : memref<!tpu.dma_semaphore, #tpu.memory_space<semaphore_mem>>)
        %dma_wait3A_115 = tpu.memref_slice %arg3[%multiple_of3A_74] : memref<321536xi32, #tpu.memory_space<hbm>> -> memref<64xi32, #tpu.memory_space<hbm>>
        %dma_wait3A_116 = tpu.memref_slice %arg3[%multiple_of3A_74] : memref<321536xi32, #tpu.memory_space<hbm>> -> memref<64xi32, #tpu.memory_space<hbm>>
        tpu.wait_dma2 semaphore(%run_scoped3A : memref<!tpu.dma_semaphore, #tpu.memory_space<semaphore_mem>>) src(%dma_wait3A_116 : memref<64xi32, #tpu.memory_space<hbm>>) dst(%arg10 : memref<64xi32, #tpu.memory_space<vmem>>)
        tpu.yield
      }) : () -> ()
      %dma_start3A_75 = arith.constant 0 : i32
      %dma_start3A_76 = arith.constant 0 : i32
      %dma_start3A_77 = tpu.memref_slice %arg2[%dma_start3A_75, %dma_start3A_76] : memref<10000x128xf32, #tpu.memory_space<hbm>> -> memref<10000x128xf32, #tpu.memory_space<hbm>>
      tpu.enqueue_indirect_dma source(%dma_start3A_77 : memref<10000x128xf32, #tpu.memory_space<hbm>>) target(%arg14 : memref<64x128xf32, #tpu.memory_space<vmem>>) offsets(%arg10 : memref<64xi32, #tpu.memory_space<vmem>>) semaphore(%arg16 : memref<!tpu.dma_semaphore, #tpu.memory_space<semaphore_mem>>)
      %sub3A_78 = arith.constant 1 : i32
      %sub3A_79 = arith.subi %select_n3A, %sub3A_78 : i32
      %min3A_80 = arith.minsi %mul3A_65, %sub3A_79 : i32
      %mul3A_81 = arith.constant 64 : i32
      %mul3A_82 = arith.muli %min3A_80, %mul3A_81 : i32
      %add3A_83 = arith.addi %mul3A_12, %mul3A_82 : i32
      %multiple_of3A_84 = tpu.assume_multiple %add3A_83, 64 : i32
      "tpu.region"() ({
        %run_scoped3A = tpu.sem_alloc : memref<!tpu.dma_semaphore, #tpu.memory_space<semaphore_mem>>
        %dma_start3A_113 = tpu.memref_slice %arg4[%multiple_of3A_84] : memref<321536xi32, #tpu.memory_space<hbm>> -> memref<64xi32, #tpu.memory_space<hbm>>
        %dma_start3A_114 = tpu.memref_slice %arg4[%multiple_of3A_84] : memref<321536xi32, #tpu.memory_space<hbm>> -> memref<64xi32, #tpu.memory_space<hbm>>
        tpu.enqueue_dma source(%dma_start3A_114 : memref<64xi32, #tpu.memory_space<hbm>>) target(%arg11 : memref<64xi32, #tpu.memory_space<vmem>>) target_semaphore(%run_scoped3A : memref<!tpu.dma_semaphore, #tpu.memory_space<semaphore_mem>>)
        %dma_wait3A_115 = tpu.memref_slice %arg4[%multiple_of3A_84] : memref<321536xi32, #tpu.memory_space<hbm>> -> memref<64xi32, #tpu.memory_space<hbm>>
        %dma_wait3A_116 = tpu.memref_slice %arg4[%multiple_of3A_84] : memref<321536xi32, #tpu.memory_space<hbm>> -> memref<64xi32, #tpu.memory_space<hbm>>
        tpu.wait_dma2 semaphore(%run_scoped3A : memref<!tpu.dma_semaphore, #tpu.memory_space<semaphore_mem>>) src(%dma_wait3A_116 : memref<64xi32, #tpu.memory_space<hbm>>) dst(%arg11 : memref<64xi32, #tpu.memory_space<vmem>>)
        tpu.yield
      }) : () -> ()
      %dma_wait3A_85 = arith.constant 0 : i32
      %dma_wait3A_86 = arith.constant 0 : i32
      %dma_wait3A_87 = tpu.memref_slice %arg2[%dma_wait3A_85, %dma_wait3A_86] : memref<10000x128xf32, #tpu.memory_space<hbm>> -> memref<10000x128xf32, #tpu.memory_space<hbm>>
      tpu.wait_indirect_dma semaphore(%arg15 : memref<!tpu.dma_semaphore, #tpu.memory_space<semaphore_mem>>) src(%dma_wait3A_87 : memref<10000x128xf32, #tpu.memory_space<hbm>>) dst(%arg13 : memref<64x128xf32, #tpu.memory_space<vmem>>)
      "tpu.region"() ({
        %run_scoped3A = tpu.sem_alloc : memref<!tpu.dma_semaphore, #tpu.memory_space<semaphore_mem>>
        %dma_start3A_113 = arith.constant 0 : i32
        %dma_start3A_114 = arith.constant 0 : i32
        %dma_start3A_115 = tpu.memref_slice %arg8[%dma_start3A_113, %dma_start3A_114] : memref<10112x128xf32, #tpu.memory_space<vmem_shared>> -> memref<10112x128xf32, #tpu.memory_space<vmem_shared>>
        tpu.enqueue_indirect_dma source(%arg13 : memref<64x128xf32, #tpu.memory_space<vmem>>) target(%dma_start3A_115 : memref<10112x128xf32, #tpu.memory_space<vmem_shared>>) offsets(%arg11 : memref<64xi32, #tpu.memory_space<vmem>>) semaphore(%run_scoped3A : memref<!tpu.dma_semaphore, #tpu.memory_space<semaphore_mem>>) {add = true}
        %dma_wait3A_116 = arith.constant 0 : i32
        %dma_wait3A_117 = arith.constant 0 : i32
        %dma_wait3A_118 = tpu.memref_slice %arg8[%dma_wait3A_116, %dma_wait3A_117] : memref<10112x128xf32, #tpu.memory_space<vmem_shared>> -> memref<10112x128xf32, #tpu.memory_space<vmem_shared>>
        tpu.wait_indirect_dma semaphore(%run_scoped3A : memref<!tpu.dma_semaphore, #tpu.memory_space<semaphore_mem>>) src(%arg13 : memref<64x128xf32, #tpu.memory_space<vmem>>) dst(%dma_wait3A_118 : memref<10112x128xf32, #tpu.memory_space<vmem_shared>>)
        tpu.yield
      }) : () -> ()
      %add3A_88 = arith.constant 2 : i32
      %add3A_89 = arith.addi %mul3A_65, %add3A_88 : i32
      %sub3A_90 = arith.constant 1 : i32
      %sub3A_91 = arith.subi %select_n3A, %sub3A_90 : i32
      %min3A_92 = arith.minsi %add3A_89, %sub3A_91 : i32
      %mul3A_93 = arith.constant 64 : i32
      %mul3A_94 = arith.muli %min3A_92, %mul3A_93 : i32
      %add3A_95 = arith.addi %mul3A_12, %mul3A_94 : i32
      %multiple_of3A_96 = tpu.assume_multiple %add3A_95, 64 : i32
      "tpu.region"() ({
        %run_scoped3A = tpu.sem_alloc : memref<!tpu.dma_semaphore, #tpu.memory_space<semaphore_mem>>
        %dma_start3A_113 = tpu.memref_slice %arg3[%multiple_of3A_96] : memref<321536xi32, #tpu.memory_space<hbm>> -> memref<64xi32, #tpu.memory_space<hbm>>
        %dma_start3A_114 = tpu.memref_slice %arg3[%multiple_of3A_96] : memref<321536xi32, #tpu.memory_space<hbm>> -> memref<64xi32, #tpu.memory_space<hbm>>
        tpu.enqueue_dma source(%dma_start3A_114 : memref<64xi32, #tpu.memory_space<hbm>>) target(%arg9 : memref<64xi32, #tpu.memory_space<vmem>>) target_semaphore(%run_scoped3A : memref<!tpu.dma_semaphore, #tpu.memory_space<semaphore_mem>>)
        %dma_wait3A_115 = tpu.memref_slice %arg3[%multiple_of3A_96] : memref<321536xi32, #tpu.memory_space<hbm>> -> memref<64xi32, #tpu.memory_space<hbm>>
        %dma_wait3A_116 = tpu.memref_slice %arg3[%multiple_of3A_96] : memref<321536xi32, #tpu.memory_space<hbm>> -> memref<64xi32, #tpu.memory_space<hbm>>
        tpu.wait_dma2 semaphore(%run_scoped3A : memref<!tpu.dma_semaphore, #tpu.memory_space<semaphore_mem>>) src(%dma_wait3A_116 : memref<64xi32, #tpu.memory_space<hbm>>) dst(%arg9 : memref<64xi32, #tpu.memory_space<vmem>>)
        tpu.yield
      }) : () -> ()
      %dma_start3A_97 = arith.constant 0 : i32
      %dma_start3A_98 = arith.constant 0 : i32
      %dma_start3A_99 = tpu.memref_slice %arg2[%dma_start3A_97, %dma_start3A_98] : memref<10000x128xf32, #tpu.memory_space<hbm>> -> memref<10000x128xf32, #tpu.memory_space<hbm>>
      tpu.enqueue_indirect_dma source(%dma_start3A_99 : memref<10000x128xf32, #tpu.memory_space<hbm>>) target(%arg13 : memref<64x128xf32, #tpu.memory_space<vmem>>) offsets(%arg9 : memref<64xi32, #tpu.memory_space<vmem>>) semaphore(%arg15 : memref<!tpu.dma_semaphore, #tpu.memory_space<semaphore_mem>>)
      %add3A_100 = arith.constant 1 : i32
      %add3A_101 = arith.addi %mul3A_65, %add3A_100 : i32
      %sub3A_102 = arith.constant 1 : i32
      %sub3A_103 = arith.subi %select_n3A, %sub3A_102 : i32
      %min3A_104 = arith.minsi %add3A_101, %sub3A_103 : i32
      %mul3A_105 = arith.constant 64 : i32
      %mul3A_106 = arith.muli %min3A_104, %mul3A_105 : i32
      %add3A_107 = arith.addi %mul3A_12, %mul3A_106 : i32
      %multiple_of3A_108 = tpu.assume_multiple %add3A_107, 64 : i32
      "tpu.region"() ({
        %run_scoped3A = tpu.sem_alloc : memref<!tpu.dma_semaphore, #tpu.memory_space<semaphore_mem>>
        %dma_start3A_113 = tpu.memref_slice %arg4[%multiple_of3A_108] : memref<321536xi32, #tpu.memory_space<hbm>> -> memref<64xi32, #tpu.memory_space<hbm>>
        %dma_start3A_114 = tpu.memref_slice %arg4[%multiple_of3A_108] : memref<321536xi32, #tpu.memory_space<hbm>> -> memref<64xi32, #tpu.memory_space<hbm>>
        tpu.enqueue_dma source(%dma_start3A_114 : memref<64xi32, #tpu.memory_space<hbm>>) target(%arg12 : memref<64xi32, #tpu.memory_space<vmem>>) target_semaphore(%run_scoped3A : memref<!tpu.dma_semaphore, #tpu.memory_space<semaphore_mem>>)
        %dma_wait3A_115 = tpu.memref_slice %arg4[%multiple_of3A_108] : memref<321536xi32, #tpu.memory_space<hbm>> -> memref<64xi32, #tpu.memory_space<hbm>>
        %dma_wait3A_116 = tpu.memref_slice %arg4[%multiple_of3A_108] : memref<321536xi32, #tpu.memory_space<hbm>> -> memref<64xi32, #tpu.memory_space<hbm>>
        tpu.wait_dma2 semaphore(%run_scoped3A : memref<!tpu.dma_semaphore, #tpu.memory_space<semaphore_mem>>) src(%dma_wait3A_116 : memref<64xi32, #tpu.memory_space<hbm>>) dst(%arg12 : memref<64xi32, #tpu.memory_space<vmem>>)
        tpu.yield
      }) : () -> ()
      %dma_wait3A_109 = arith.constant 0 : i32
      %dma_wait3A_110 = arith.constant 0 : i32
      %dma_wait3A_111 = tpu.memref_slice %arg2[%dma_wait3A_109, %dma_wait3A_110] : memref<10000x128xf32, #tpu.memory_space<hbm>> -> memref<10000x128xf32, #tpu.memory_space<hbm>>
      tpu.wait_indirect_dma semaphore(%arg16 : memref<!tpu.dma_semaphore, #tpu.memory_space<semaphore_mem>>) src(%dma_wait3A_111 : memref<10000x128xf32, #tpu.memory_space<hbm>>) dst(%arg14 : memref<64x128xf32, #tpu.memory_space<vmem>>)
      "tpu.region"() ({
        %run_scoped3A = tpu.sem_alloc : memref<!tpu.dma_semaphore, #tpu.memory_space<semaphore_mem>>
        %dma_start3A_113 = arith.constant 0 : i32
        %dma_start3A_114 = arith.constant 0 : i32
        %dma_start3A_115 = tpu.memref_slice %arg8[%dma_start3A_113, %dma_start3A_114] : memref<10112x128xf32, #tpu.memory_space<vmem_shared>> -> memref<10112x128xf32, #tpu.memory_space<vmem_shared>>
        tpu.enqueue_indirect_dma source(%arg14 : memref<64x128xf32, #tpu.memory_space<vmem>>) target(%dma_start3A_115 : memref<10112x128xf32, #tpu.memory_space<vmem_shared>>) offsets(%arg12 : memref<64xi32, #tpu.memory_space<vmem>>) semaphore(%run_scoped3A : memref<!tpu.dma_semaphore, #tpu.memory_space<semaphore_mem>>) {add = true}
        %dma_wait3A_116 = arith.constant 0 : i32
        %dma_wait3A_117 = arith.constant 0 : i32
        %dma_wait3A_118 = tpu.memref_slice %arg8[%dma_wait3A_116, %dma_wait3A_117] : memref<10112x128xf32, #tpu.memory_space<vmem_shared>> -> memref<10112x128xf32, #tpu.memory_space<vmem_shared>>
        tpu.wait_indirect_dma semaphore(%run_scoped3A : memref<!tpu.dma_semaphore, #tpu.memory_space<semaphore_mem>>) src(%arg14 : memref<64x128xf32, #tpu.memory_space<vmem>>) dst(%dma_wait3A_118 : memref<10112x128xf32, #tpu.memory_space<vmem_shared>>)
        tpu.yield
      }) : () -> ()
      %while3A_112 = arith.constant 0 : i32
      scf.yield %while3A_112 : i32
    }
    %while3A_49 = arith.constant 1 : i32
    %while3A_50 = scf.for %while3A_62 = %while3A_46 to %while3A_42 step %while3A_49 iter_args(%while3A_63 = %while3A_48) -> (i32)  : i32 {
      %mul3A_64 = arith.constant 2 : i32
      %mul3A_65 = arith.muli %mul3A_64, %while3A_62 : i32
      %add3A_66 = arith.constant 1 : i32
      %add3A_67 = arith.addi %mul3A_65, %add3A_66 : i32
      %sub3A_68 = arith.constant 1 : i32
      %sub3A_69 = arith.subi %select_n3A, %sub3A_68 : i32
      %min3A_70 = arith.minsi %add3A_67, %sub3A_69 : i32
      %mul3A_71 = arith.constant 64 : i32
      %mul3A_72 = arith.muli %min3A_70, %mul3A_71 : i32
      %add3A_73 = arith.addi %mul3A_12, %mul3A_72 : i32
      %multiple_of3A_74 = tpu.assume_multiple %add3A_73, 64 : i32
      "tpu.region"() ({
        %run_scoped3A = tpu.sem_alloc : memref<!tpu.dma_semaphore, #tpu.memory_space<semaphore_mem>>
        %dma_start3A_113 = tpu.memref_slice %arg3[%multiple_of3A_74] : memref<321536xi32, #tpu.memory_space<hbm>> -> memref<64xi32, #tpu.memory_space<hbm>>
        %dma_start3A_114 = tpu.memref_slice %arg3[%multiple_of3A_74] : memref<321536xi32, #tpu.memory_space<hbm>> -> memref<64xi32, #tpu.memory_space<hbm>>
        tpu.enqueue_dma source(%dma_start3A_114 : memref<64xi32, #tpu.memory_space<hbm>>) target(%arg10 : memref<64xi32, #tpu.memory_space<vmem>>) target_semaphore(%run_scoped3A : memref<!tpu.dma_semaphore, #tpu.memory_space<semaphore_mem>>)
        %dma_wait3A_115 = tpu.memref_slice %arg3[%multiple_of3A_74] : memref<321536xi32, #tpu.memory_space<hbm>> -> memref<64xi32, #tpu.memory_space<hbm>>
        %dma_wait3A_116 = tpu.memref_slice %arg3[%multiple_of3A_74] : memref<321536xi32, #tpu.memory_space<hbm>> -> memref<64xi32, #tpu.memory_space<hbm>>
        tpu.wait_dma2 semaphore(%run_scoped3A : memref<!tpu.dma_semaphore, #tpu.memory_space<semaphore_mem>>) src(%dma_wait3A_116 : memref<64xi32, #tpu.memory_space<hbm>>) dst(%arg10 : memref<64xi32, #tpu.memory_space<vmem>>)
        tpu.yield
      }) : () -> ()
      %dma_start3A_75 = arith.constant 0 : i32
      %dma_start3A_76 = arith.constant 0 : i32
      %dma_start3A_77 = tpu.memref_slice %arg2[%dma_start3A_75, %dma_start3A_76] : memref<10000x128xf32, #tpu.memory_space<hbm>> -> memref<10000x128xf32, #tpu.memory_space<hbm>>
      tpu.enqueue_indirect_dma source(%dma_start3A_77 : memref<10000x128xf32, #tpu.memory_space<hbm>>) target(%arg14 : memref<64x128xf32, #tpu.memory_space<vmem>>) offsets(%arg10 : memref<64xi32, #tpu.memory_space<vmem>>) semaphore(%arg16 : memref<!tpu.dma_semaphore, #tpu.memory_space<semaphore_mem>>)
      %sub3A_78 = arith.constant 1 : i32
      %sub3A_79 = arith.subi %select_n3A, %sub3A_78 : i32
      %min3A_80 = arith.minsi %mul3A_65, %sub3A_79 : i32
      %mul3A_81 = arith.constant 64 : i32
      %mul3A_82 = arith.muli %min3A_80, %mul3A_81 : i32
      %add3A_83 = arith.addi %mul3A_12, %mul3A_82 : i32
      %multiple_of3A_84 = tpu.assume_multiple %add3A_83, 64 : i32
      "tpu.region"() ({
        %run_scoped3A = tpu.sem_alloc : memref<!tpu.dma_semaphore, #tpu.memory_space<semaphore_mem>>
        %dma_start3A_113 = tpu.memref_slice %arg4[%multiple_of3A_84] : memref<321536xi32, #tpu.memory_space<hbm>> -> memref<64xi32, #tpu.memory_space<hbm>>
        %dma_start3A_114 = tpu.memref_slice %arg4[%multiple_of3A_84] : memref<321536xi32, #tpu.memory_space<hbm>> -> memref<64xi32, #tpu.memory_space<hbm>>
        tpu.enqueue_dma source(%dma_start3A_114 : memref<64xi32, #tpu.memory_space<hbm>>) target(%arg11 : memref<64xi32, #tpu.memory_space<vmem>>) target_semaphore(%run_scoped3A : memref<!tpu.dma_semaphore, #tpu.memory_space<semaphore_mem>>)
        %dma_wait3A_115 = tpu.memref_slice %arg4[%multiple_of3A_84] : memref<321536xi32, #tpu.memory_space<hbm>> -> memref<64xi32, #tpu.memory_space<hbm>>
        %dma_wait3A_116 = tpu.memref_slice %arg4[%multiple_of3A_84] : memref<321536xi32, #tpu.memory_space<hbm>> -> memref<64xi32, #tpu.memory_space<hbm>>
        tpu.wait_dma2 semaphore(%run_scoped3A : memref<!tpu.dma_semaphore, #tpu.memory_space<semaphore_mem>>) src(%dma_wait3A_116 : memref<64xi32, #tpu.memory_space<hbm>>) dst(%arg11 : memref<64xi32, #tpu.memory_space<vmem>>)
        tpu.yield
      }) : () -> ()
      %dma_wait3A_85 = arith.constant 0 : i32
      %dma_wait3A_86 = arith.constant 0 : i32
      %dma_wait3A_87 = tpu.memref_slice %arg2[%dma_wait3A_85, %dma_wait3A_86] : memref<10000x128xf32, #tpu.memory_space<hbm>> -> memref<10000x128xf32, #tpu.memory_space<hbm>>
      tpu.wait_indirect_dma semaphore(%arg15 : memref<!tpu.dma_semaphore, #tpu.memory_space<semaphore_mem>>) src(%dma_wait3A_87 : memref<10000x128xf32, #tpu.memory_space<hbm>>) dst(%arg13 : memref<64x128xf32, #tpu.memory_space<vmem>>)
      "tpu.region"() ({
        %run_scoped3A = tpu.sem_alloc : memref<!tpu.dma_semaphore, #tpu.memory_space<semaphore_mem>>
        %dma_start3A_113 = arith.constant 0 : i32
        %dma_start3A_114 = arith.constant 0 : i32
        %dma_start3A_115 = tpu.memref_slice %arg8[%dma_start3A_113, %dma_start3A_114] : memref<10112x128xf32, #tpu.memory_space<vmem_shared>> -> memref<10112x128xf32, #tpu.memory_space<vmem_shared>>
        tpu.enqueue_indirect_dma source(%arg13 : memref<64x128xf32, #tpu.memory_space<vmem>>) target(%dma_start3A_115 : memref<10112x128xf32, #tpu.memory_space<vmem_shared>>) offsets(%arg11 : memref<64xi32, #tpu.memory_space<vmem>>) semaphore(%run_scoped3A : memref<!tpu.dma_semaphore, #tpu.memory_space<semaphore_mem>>) {add = true}
        %dma_wait3A_116 = arith.constant 0 : i32
        %dma_wait3A_117 = arith.constant 0 : i32
        %dma_wait3A_118 = tpu.memref_slice %arg8[%dma_wait3A_116, %dma_wait3A_117] : memref<10112x128xf32, #tpu.memory_space<vmem_shared>> -> memref<10112x128xf32, #tpu.memory_space<vmem_shared>>
        tpu.wait_indirect_dma semaphore(%run_scoped3A : memref<!tpu.dma_semaphore, #tpu.memory_space<semaphore_mem>>) src(%arg13 : memref<64x128xf32, #tpu.memory_space<vmem>>) dst(%dma_wait3A_118 : memref<10112x128xf32, #tpu.memory_space<vmem_shared>>)
        tpu.yield
      }) : () -> ()
      %add3A_88 = arith.constant 2 : i32
      %add3A_89 = arith.addi %mul3A_65, %add3A_88 : i32
      %sub3A_90 = arith.constant 1 : i32
      %sub3A_91 = arith.subi %select_n3A, %sub3A_90 : i32
      %min3A_92 = arith.minsi %add3A_89, %sub3A_91 : i32
      %mul3A_93 = arith.constant 64 : i32
      %mul3A_94 = arith.muli %min3A_92, %mul3A_93 : i32
      %add3A_95 = arith.addi %mul3A_12, %mul3A_94 : i32
      %multiple_of3A_96 = tpu.assume_multiple %add3A_95, 64 : i32
      "tpu.region"() ({
        %run_scoped3A = tpu.sem_alloc : memref<!tpu.dma_semaphore, #tpu.memory_space<semaphore_mem>>
        %dma_start3A_113 = tpu.memref_slice %arg3[%multiple_of3A_96] : memref<321536xi32, #tpu.memory_space<hbm>> -> memref<64xi32, #tpu.memory_space<hbm>>
        %dma_start3A_114 = tpu.memref_slice %arg3[%multiple_of3A_96] : memref<321536xi32, #tpu.memory_space<hbm>> -> memref<64xi32, #tpu.memory_space<hbm>>
        tpu.enqueue_dma source(%dma_start3A_114 : memref<64xi32, #tpu.memory_space<hbm>>) target(%arg9 : memref<64xi32, #tpu.memory_space<vmem>>) target_semaphore(%run_scoped3A : memref<!tpu.dma_semaphore, #tpu.memory_space<semaphore_mem>>)
        %dma_wait3A_115 = tpu.memref_slice %arg3[%multiple_of3A_96] : memref<321536xi32, #tpu.memory_space<hbm>> -> memref<64xi32, #tpu.memory_space<hbm>>
        %dma_wait3A_116 = tpu.memref_slice %arg3[%multiple_of3A_96] : memref<321536xi32, #tpu.memory_space<hbm>> -> memref<64xi32, #tpu.memory_space<hbm>>
        tpu.wait_dma2 semaphore(%run_scoped3A : memref<!tpu.dma_semaphore, #tpu.memory_space<semaphore_mem>>) src(%dma_wait3A_116 : memref<64xi32, #tpu.memory_space<hbm>>) dst(%arg9 : memref<64xi32, #tpu.memory_space<vmem>>)
        tpu.yield
      }) : () -> ()
      %dma_start3A_97 = arith.constant 0 : i32
      %dma_start3A_98 = arith.constant 0 : i32
      %dma_start3A_99 = tpu.memref_slice %arg2[%dma_start3A_97, %dma_start3A_98] : memref<10000x128xf32, #tpu.memory_space<hbm>> -> memref<10000x128xf32, #tpu.memory_space<hbm>>
      tpu.enqueue_indirect_dma source(%dma_start3A_99 : memref<10000x128xf32, #tpu.memory_space<hbm>>) target(%arg13 : memref<64x128xf32, #tpu.memory_space<vmem>>) offsets(%arg9 : memref<64xi32, #tpu.memory_space<vmem>>) semaphore(%arg15 : memref<!tpu.dma_semaphore, #tpu.memory_space<semaphore_mem>>)
      %add3A_100 = arith.constant 1 : i32
      %add3A_101 = arith.addi %mul3A_65, %add3A_100 : i32
      %sub3A_102 = arith.constant 1 : i32
      %sub3A_103 = arith.subi %select_n3A, %sub3A_102 : i32
      %min3A_104 = arith.minsi %add3A_101, %sub3A_103 : i32
      %mul3A_105 = arith.constant 64 : i32
      %mul3A_106 = arith.muli %min3A_104, %mul3A_105 : i32
      %add3A_107 = arith.addi %mul3A_12, %mul3A_106 : i32
      %multiple_of3A_108 = tpu.assume_multiple %add3A_107, 64 : i32
      "tpu.region"() ({
        %run_scoped3A = tpu.sem_alloc : memref<!tpu.dma_semaphore, #tpu.memory_space<semaphore_mem>>
        %dma_start3A_113 = tpu.memref_slice %arg4[%multiple_of3A_108] : memref<321536xi32, #tpu.memory_space<hbm>> -> memref<64xi32, #tpu.memory_space<hbm>>
        %dma_start3A_114 = tpu.memref_slice %arg4[%multiple_of3A_108] : memref<321536xi32, #tpu.memory_space<hbm>> -> memref<64xi32, #tpu.memory_space<hbm>>
        tpu.enqueue_dma source(%dma_start3A_114 : memref<64xi32, #tpu.memory_space<hbm>>) target(%arg12 : memref<64xi32, #tpu.memory_space<vmem>>) target_semaphore(%run_scoped3A : memref<!tpu.dma_semaphore, #tpu.memory_space<semaphore_mem>>)
        %dma_wait3A_115 = tpu.memref_slice %arg4[%multiple_of3A_108] : memref<321536xi32, #tpu.memory_space<hbm>> -> memref<64xi32, #tpu.memory_space<hbm>>
        %dma_wait3A_116 = tpu.memref_slice %arg4[%multiple_of3A_108] : memref<321536xi32, #tpu.memory_space<hbm>> -> memref<64xi32, #tpu.memory_space<hbm>>
        tpu.wait_dma2 semaphore(%run_scoped3A : memref<!tpu.dma_semaphore, #tpu.memory_space<semaphore_mem>>) src(%dma_wait3A_116 : memref<64xi32, #tpu.memory_space<hbm>>) dst(%arg12 : memref<64xi32, #tpu.memory_space<vmem>>)
        tpu.yield
      }) : () -> ()
      %dma_wait3A_109 = arith.constant 0 : i32
      %dma_wait3A_110 = arith.constant 0 : i32
      %dma_wait3A_111 = tpu.memref_slice %arg2[%dma_wait3A_109, %dma_wait3A_110] : memref<10000x128xf32, #tpu.memory_space<hbm>> -> memref<10000x128xf32, #tpu.memory_space<hbm>>
      tpu.wait_indirect_dma semaphore(%arg16 : memref<!tpu.dma_semaphore, #tpu.memory_space<semaphore_mem>>) src(%dma_wait3A_111 : memref<10000x128xf32, #tpu.memory_space<hbm>>) dst(%arg14 : memref<64x128xf32, #tpu.memory_space<vmem>>)
      "tpu.region"() ({
        %run_scoped3A = tpu.sem_alloc : memref<!tpu.dma_semaphore, #tpu.memory_space<semaphore_mem>>
        %dma_start3A_113 = arith.constant 0 : i32
        %dma_start3A_114 = arith.constant 0 : i32
        %dma_start3A_115 = tpu.memref_slice %arg8[%dma_start3A_113, %dma_start3A_114] : memref<10112x128xf32, #tpu.memory_space<vmem_shared>> -> memref<10112x128xf32, #tpu.memory_space<vmem_shared>>
        tpu.enqueue_indirect_dma source(%arg14 : memref<64x128xf32, #tpu.memory_space<vmem>>) target(%dma_start3A_115 : memref<10112x128xf32, #tpu.memory_space<vmem_shared>>) offsets(%arg12 : memref<64xi32, #tpu.memory_space<vmem>>) semaphore(%run_scoped3A : memref<!tpu.dma_semaphore, #tpu.memory_space<semaphore_mem>>) {add = true}
        %dma_wait3A_116 = arith.constant 0 : i32
        %dma_wait3A_117 = arith.constant 0 : i32
        %dma_wait3A_118 = tpu.memref_slice %arg8[%dma_wait3A_116, %dma_wait3A_117] : memref<10112x128xf32, #tpu.memory_space<vmem_shared>> -> memref<10112x128xf32, #tpu.memory_space<vmem_shared>>
        tpu.wait_indirect_dma semaphore(%run_scoped3A : memref<!tpu.dma_semaphore, #tpu.memory_space<semaphore_mem>>) src(%arg14 : memref<64x128xf32, #tpu.memory_space<vmem>>) dst(%dma_wait3A_118 : memref<10112x128xf32, #tpu.memory_space<vmem_shared>>)
        tpu.yield
      }) : () -> ()
      %while3A_112 = arith.constant 0 : i32
      scf.yield %while3A_112 : i32
    }
    %dma_wait3A = arith.constant 0 : i32
    %dma_wait3A_51 = arith.constant 0 : i32
    %dma_wait3A_52 = tpu.memref_slice %arg2[%dma_wait3A, %dma_wait3A_51] : memref<10000x128xf32, #tpu.memory_space<hbm>> -> memref<10000x128xf32, #tpu.memory_space<hbm>>
    tpu.wait_indirect_dma semaphore(%arg15 : memref<!tpu.dma_semaphore, #tpu.memory_space<semaphore_mem>>) src(%dma_wait3A_52 : memref<10000x128xf32, #tpu.memory_space<hbm>>) dst(%arg13 : memref<64x128xf32, #tpu.memory_space<vmem>>)
    %barrier3A_53 = arith.constant 0 : index
    tpu.barrier barrier_id(%barrier3A_53)
    %eq3A_54 = arith.constant 0 : i32
    %eq3A_55 = arith.cmpi eq, %arg0, %eq3A_54 : i32
    %convert_element_type3A = arith.extui %eq3A_55 : i1 to i32
    %cond3A = arith.constant 0 : i32
    %cond3A_56 = arith.cmpi ne, %convert_element_type3A, %cond3A : i32
    scf.if %cond3A_56 {
      "tpu.region"() ({
        %run_scoped3A = tpu.sem_alloc : memref<!tpu.dma_semaphore, #tpu.memory_space<semaphore_mem>>
        %dma_start3A_62 = arith.constant 0 : i32
        %dma_start3A_63 = tpu.memref_slice %arg6[%multiple_of3A, %dma_start3A_62] : memref<10112x128xf32, #tpu.memory_space<hbm>> -> memref<632x128xf32, #tpu.memory_space<hbm>>
        %dma_start3A_64 = arith.constant 0 : i32
        %dma_start3A_65 = tpu.memref_slice %arg8[%multiple_of3A, %dma_start3A_64] : memref<10112x128xf32, #tpu.memory_space<vmem_shared>> -> memref<632x128xf32, #tpu.memory_space<vmem_shared>>
        tpu.enqueue_dma source(%dma_start3A_65 : memref<632x128xf32, #tpu.memory_space<vmem_shared>>) target(%dma_start3A_63 : memref<632x128xf32, #tpu.memory_space<hbm>>) target_semaphore(%run_scoped3A : memref<!tpu.dma_semaphore, #tpu.memory_space<semaphore_mem>>)
        %dma_wait3A_66 = arith.constant 0 : i32
        %dma_wait3A_67 = tpu.memref_slice %arg6[%multiple_of3A, %dma_wait3A_66] : memref<10112x128xf32, #tpu.memory_space<hbm>> -> memref<632x128xf32, #tpu.memory_space<hbm>>
        %dma_wait3A_68 = arith.constant 0 : i32
        %dma_wait3A_69 = tpu.memref_slice %arg8[%multiple_of3A, %dma_wait3A_68] : memref<10112x128xf32, #tpu.memory_space<vmem_shared>> -> memref<632x128xf32, #tpu.memory_space<vmem_shared>>
        tpu.wait_dma2 semaphore(%run_scoped3A : memref<!tpu.dma_semaphore, #tpu.memory_space<semaphore_mem>>) src(%dma_wait3A_69 : memref<632x128xf32, #tpu.memory_space<vmem_shared>>) dst(%dma_wait3A_67 : memref<632x128xf32, #tpu.memory_space<hbm>>)
        tpu.yield
      }) : () -> ()
    } else {
    }
    %eq3A_57 = arith.constant 1 : i32
    %eq3A_58 = arith.cmpi eq, %arg0, %eq3A_57 : i32
    %convert_element_type3A_59 = arith.extui %eq3A_58 : i1 to i32
    %cond3A_60 = arith.constant 0 : i32
    %cond3A_61 = arith.cmpi ne, %convert_element_type3A_59, %cond3A_60 : i32
    scf.if %cond3A_61 {
      "tpu.region"() ({
        %run_scoped3A = tpu.sem_alloc : memref<!tpu.dma_semaphore, #tpu.memory_space<semaphore_mem>>
        %dma_start3A_62 = arith.constant 0 : i32
        %dma_start3A_63 = tpu.memref_slice %arg7[%multiple_of3A, %dma_start3A_62] : memref<10112x128xf32, #tpu.memory_space<hbm>> -> memref<632x128xf32, #tpu.memory_space<hbm>>
        %dma_start3A_64 = arith.constant 0 : i32
        %dma_start3A_65 = tpu.memref_slice %arg8[%multiple_of3A, %dma_start3A_64] : memref<10112x128xf32, #tpu.memory_space<vmem_shared>> -> memref<632x128xf32, #tpu.memory_space<vmem_shared>>
        tpu.enqueue_dma source(%dma_start3A_65 : memref<632x128xf32, #tpu.memory_space<vmem_shared>>) target(%dma_start3A_63 : memref<632x128xf32, #tpu.memory_space<hbm>>) target_semaphore(%run_scoped3A : memref<!tpu.dma_semaphore, #tpu.memory_space<semaphore_mem>>)
        %dma_wait3A_66 = arith.constant 0 : i32
        %dma_wait3A_67 = tpu.memref_slice %arg7[%multiple_of3A, %dma_wait3A_66] : memref<10112x128xf32, #tpu.memory_space<hbm>> -> memref<632x128xf32, #tpu.memory_space<hbm>>
        %dma_wait3A_68 = arith.constant 0 : i32
        %dma_wait3A_69 = tpu.memref_slice %arg8[%multiple_of3A, %dma_wait3A_68] : memref<10112x128xf32, #tpu.memory_space<vmem_shared>> -> memref<632x128xf32, #tpu.memory_space<vmem_shared>>
        tpu.wait_dma2 semaphore(%run_scoped3A : memref<!tpu.dma_semaphore, #tpu.memory_space<semaphore_mem>>) src(%dma_wait3A_69 : memref<632x128xf32, #tpu.memory_space<vmem_shared>>) dst(%dma_wait3A_67 : memref<632x128xf32, #tpu.memory_space<hbm>>)
        tpu.yield
      }) : () -> ()
    } else {
    }
    return
  }
}

module attributes {stable_mosaic.version = 14 : i64} {
  func.func @_tc_finish(%arg0: memref<10000x128xf32, #tpu.memory_space<vmem>>, %arg1: memref<10112x128xf32, #tpu.memory_space<vmem>>, %arg2: memref<10112x128xf32, #tpu.memory_space<vmem>>, %arg3: memref<10000x1xi32, #tpu.memory_space<vmem>>, %arg4: memref<128x128xf32, #tpu.memory_space<vmem>>, %arg5: memref<10000x128xf32, #tpu.memory_space<vmem>>) attributes {dimension_semantics = [], scalar_prefetch = 0 : i64, scratch_operands = 0 : i64, tpu.core_type = #tpu.core_type<tc>} {
    %get3A = arith.constant 0 : index
    %get3A_0 = arith.constant 0 : index
    %get3A_1 = vector.load %arg0[%get3A, %get3A_0] : memref<10000x128xf32, #tpu.memory_space<vmem>>, vector<10000x128xf32>
    %get3A_2 = arith.constant 0 : index
    %get3A_3 = arith.constant 0 : index
    %get3A_4 = vector.load %arg1[%get3A_2, %get3A_3] : memref<10112x128xf32, #tpu.memory_space<vmem>>, vector<10000x128xf32>
    %add3A = arith.addf %get3A_1, %get3A_4 : vector<10000x128xf32>
    %get3A_5 = arith.constant 0 : index
    %get3A_6 = arith.constant 0 : index
    %get3A_7 = vector.load %arg2[%get3A_5, %get3A_6] : memref<10112x128xf32, #tpu.memory_space<vmem>>, vector<10000x128xf32>
    %add3A_8 = arith.addf %add3A, %get3A_7 : vector<10000x128xf32>
    %get3A_9 = arith.constant 0 : index
    %get3A_10 = arith.constant 0 : index
    %get3A_11 = vector.load %arg3[%get3A_9, %get3A_10] : memref<10000x1xi32, #tpu.memory_space<vmem>>, vector<10000x1xi32>
    %iota3A = tpu.iota {dimensions = array<i32: 1>} : vector<1x64xi32>
    %eq3A = vector.broadcast %get3A_11 : vector<10000x1xi32> to vector<10000x64xi32>
    %eq3A_12 = vector.broadcast %iota3A : vector<1x64xi32> to vector<10000x64xi32>
    %eq3A_13 = arith.cmpi eq, %eq3A, %eq3A_12 : vector<10000x64xi32>
    %convert_element_type3A = arith.extui %eq3A_13 : vector<10000x64xi1> to vector<10000x64xi32>
    %convert_element_type3A_14 = arith.sitofp %convert_element_type3A : vector<10000x64xi32> to vector<10000x64xf32>
    %dot_general3A = arith.constant dense<0.000000e+00> : vector<64x128xf32>
    %dot_general3A_15 = tpu.matmul %convert_element_type3A_14, %add3A_8, %dot_general3A {dimension_numbers = #tpu.dot_dimension_numbers<[0], [0], [1], [1], [0, 1, 1, 1], [], []>, transpose_lhs_hint = false} : vector<10000x64xf32>, vector<10000x128xf32>, vector<64x128xf32> -> vector<64x128xf32>
    %broadcast_in_dim3A = arith.constant 1.000000e+00 : f32
    %broadcast_in_dim3A_16 = vector.broadcast %broadcast_in_dim3A : f32 to vector<10000x1xf32>
    %dot_general3A_17 = arith.constant dense<0.000000e+00> : vector<64x1xf32>
    %dot_general3A_18 = tpu.matmul %convert_element_type3A_14, %broadcast_in_dim3A_16, %dot_general3A_17 {dimension_numbers = #tpu.dot_dimension_numbers<[0], [0], [1], [1], [0, 1, 1, 1], [], []>, transpose_lhs_hint = false} : vector<10000x64xf32>, vector<10000x1xf32>, vector<64x1xf32> -> vector<64x1xf32>
    %max3A = arith.constant 1.000000e+00 : f32
    %max3A_19 = vector.broadcast %max3A : f32 to vector<64x1xf32>
    %max3A_20 = arith.maximumf %dot_general3A_18, %max3A_19 : vector<64x1xf32>
    %div3A = vector.broadcast %max3A_20 : vector<64x1xf32> to vector<64x128xf32>
    %div3A_21 = arith.divf %dot_general3A_15, %div3A : vector<64x128xf32>
    %dot_general3A_22 = arith.constant dense<0.000000e+00> : vector<10000x128xf32>
    %dot_general3A_23 = tpu.matmul %convert_element_type3A_14, %div3A_21, %dot_general3A_22 {dimension_numbers = #tpu.dot_dimension_numbers<[1], [0], [0], [1], [0, 0, 1, 1], [], []>, transpose_lhs_hint = false} : vector<10000x64xf32>, vector<64x128xf32>, vector<10000x128xf32> -> vector<10000x128xf32>
    %add3A_24 = arith.addf %add3A_8, %dot_general3A_23 : vector<10000x128xf32>
    %get3A_25 = arith.constant 0 : index
    %get3A_26 = arith.constant 0 : index
    %get3A_27 = vector.load %arg4[%get3A_25, %get3A_26] : memref<128x128xf32, #tpu.memory_space<vmem>>, vector<128x128xf32>
    %dot_general3A_28 = arith.constant dense<0.000000e+00> : vector<10000x128xf32>
    %dot_general3A_29 = tpu.matmul %add3A_24, %get3A_27, %dot_general3A_28 {dimension_numbers = #tpu.dot_dimension_numbers<[1], [0], [0], [1], [0, 0, 1, 1], [], []>, transpose_lhs_hint = false} : vector<10000x128xf32>, vector<128x128xf32>, vector<10000x128xf32> -> vector<10000x128xf32>
    %max3A_30 = arith.constant 0.000000e+00 : f32
    %max3A_31 = vector.broadcast %max3A_30 : f32 to vector<10000x128xf32>
    %max3A_32 = arith.maximumf %dot_general3A_29, %max3A_31 : vector<10000x128xf32>
    %swap3A = arith.constant 0 : index
    %swap3A_33 = arith.constant 0 : index
    %swap3A_34 = vector.load %arg5[%swap3A, %swap3A_33] : memref<10000x128xf32, #tpu.memory_space<vmem>>, vector<10000x128xf32>
    tpu.vector_store %arg5[%swap3A, %swap3A_33], %max3A_32 {strides = array<i32>} : memref<10000x128xf32, #tpu.memory_space<vmem>>, vector<10000x128xf32>,
    return
  }
}

</mosaic_0001>

<sc_bundles>
// kernel: kernel.4.cloned.1.call-start
scs
__scs_entry_jumppad:
0x0: {  	(pc) =	sbr.rel $0x88, $3  }
0x1: {  	(tag) =	ssettag $0x0;
	lr =	simm.s32 $0x1  }
0x2: {  	[smem:$0x3F9D] =	sst lr;
	_ =	strace $0xD0000000  }
0x3: {  	_ = 	snop  }
0x4: {  	_ = 	snop  }
0x5: {  	_ = 	snop  }
0x6: {  	_ = 	snop  }
0x7: {  	_ = 	snop  }
__scs_overlays_trampoline_lowered:
0x8: {  	[smem:$0x3FAC] =	sst s0  }
0x9: {  	[smem:$0x3FAD] =	sst s1  }
0xa: {  	[smem:$0x3FAE] =	sst s2  }
0xb: {  	[smem:$0x3FAF] =	sst s3  }
0xc: {  	[smem:$0x3FB0] =	sst s4  }
0xd: {  	[smem:$0x3FB1] =	sst s5  }
0xe: {  	[smem:$0x3FB2] =	sst s6  }
0xf: {  	[smem:$0x3FB3] =	sst s7  }
0x10: {  	[smem:$0x3FB4] =	sst s8  }
0x11: {  	[smem:$0x3FB5] =	sst s9;
	s0 =	simm.s32 @!p0 $0x0  }
0x12: {  	s1 =	sld [smem:$0x3F9B];
	s0 =	simm.s32 @p0 $0x1  }
0x13: {  	[smem:$0x3FB6] =	sst s0;
	s0 =	simm.s32 @!p1 $0x0  }
0x14: {  	s2 =	sld [smem:$0x3F9A];
	s0 =	simm.s32 @p1 $0x1  }
0x15: {  	[smem:$0x3FB7] =	sst s0;
	s0 =	simm.s32 @!p2 $0x0  }
0x16: {  	s3 =	sld [smem:$0x3FDB];
	s0 =	simm.s32 @p2 $0x1  }
0x17: {  	s4 =	simm.s32 $0x1BF5;
	[smem:$0x3FB9] =	sst s0  }
0x18: {  	s0 =	sld [smem:$0x3F9C];
	_ =	swait.ge [sflag:s4], $0x0  }
0x19: {  	s7 =	sld [smem:$0x3F9D]  }
0x1a: {  	s8 =	sadd.s32 $0xFFFFE003, lr  }
0x1b: {  	s9 =	sadd.s32 $0xFFFFFEF7, lr;
	s5 =	simm.s32 $0xFFFFFFFF;
	p2 =	slt.u32 s8, $0xFFFFF086  }
0x1c: {  	p1 =	slt.u32 s9, $0xF7A;
	s5 =	simm.s32 @!p2 $0x0  }
0x1d: {  	s5 =	simm.s32 @p1 $0x1;
	p0 =	seq.s32 s7, s2  }
0x1e: {  	s7 =	smul.u32 @!p0 $0xF7A, s2;
	p2 =	seq.s32 @!p0 s5, $0x0  }
0x1f: {  	s9 =	smul.u32 $0xF7A, s1;
	s8 =	simm.s32 @!p0 $0x1BF5;
	p2 =	por !p2, p0  }
0x20: {  	[sflag:s8] =	ssyncset.s32 @!p0 $0xFFFFF086;
	s6 =	sadd.s32 @!p0 s3, s7;
	s7 =	simm.s32 @!p0 $0x108  }
0x21: {  	s3 =	sadd.s32 s3, s9;
	s6 =	sadd.s32 @!p0 $0x88, s6;
	s7 =	simm.s32 @p2 $0x1082  }
0x22: {  	[simem:s7], [sflag:s8] =	dma.local @!p0 [hbm:s6], $0xF7A  }
0x23: {  	s9 =	sor.u32 $0xD0000000, s2;
	s6 =	simm.s32 $0x108;
	_ =	swait.ge @!p0 [sflag:s8], $0x0  }
0x24: {  	s3 =	sadd.s32 $0x88, s3;
	s6 =	simm.s32 @!p1 $0x1082;
	[sflag:s4] =	ssyncset.s32 $0xFFFFF086  }
0x25: {  	[simem:s6], [sflag:s4] =	dma.local [hbm:s3], $0xF7A  }
0x26: {  	[smem:$0x3F9D] =	sst s1;
	(tag) =	ssettag s2;
	_ =	strace s9  }
0x27: {  	s1 =	sld [smem:$0x3FAD]  }
0x28: {  	s2 =	sld [smem:$0x3FAE]  }
0x29: {  	s4 =	sld [smem:$0x3FB0]  }
0x2a: {  	p0 =	seq.s32 s5, $0x0;
	s5 =	sld [smem:$0x3FB1]  }
0x2b: {  	s6 =	sld [smem:$0x3FB2]  }
0x2c: {  	s7 =	sld [smem:$0x3FB3]  }
0x2d: {  	s3 =	simm.s32 $0x108;
	s8 =	sld [smem:$0x3FB4]  }
0x2e: {  	s3 =	simm.s32 @!p0 $0x1082;
	s9 =	sld [smem:$0x3FB5]  }
0x2f: {  	lr =	sadd.s32 s0, s3;
	s0 =	sld [smem:$0x3FAC]  }
0x30: {  	s3 =	sld [smem:$0x3FAF]  }
0x31: {  	[smem:$0x3FB8] =	sst s10  }
0x32: {  	s10 =	sld [smem:$0x3FB6];
	_ =	sdelay $0x3  }
0x33: {  	p0 =	seq.s32 s10, $0x1;
	s10 =	sld [smem:$0x3FB8];
	_ =	sdelay $0x3  }
0x34: {  	[smem:$0x3FB8] =	sst s10  }
0x35: {  	s10 =	sld [smem:$0x3FB7];
	_ =	sdelay $0x3  }
0x36: {  	p1 =	seq.s32 s10, $0x1;
	s10 =	sld [smem:$0x3FB8];
	_ =	sdelay $0x3  }
0x37: {  	[smem:$0x3FB8] =	sst s10  }
0x38: {  	s10 =	sld [smem:$0x3FB9]  }
0x39: {  	_ = 	snop;
	(pc) =	sbr.ind lr, $3  }
0x3a: {  	_ = 	snop  }
0x3b: {  	_ = 	snop  }
0x3c: {  	p2 =	seq.s32 s10, $0x1;
	s10 =	sld [smem:$0x3FB8]  }
0x3d: {  	_ =	shalt  }
0x3e: {  	_ =	shalt  }
0x3f: {  	_ =	shalt  }
0x40: {  	_ =	shalt  }
0x41: {  	_ =	shalt  }
0x42: {  	_ =	shalt  }
0x43: {  	_ =	shalt  }
0x44: {  	_ =	shalt  }
0x45: {  	_ =	shalt  }
0x46: {  	_ =	shalt  }
0x47: {  	_ =	shalt  }
0x48: {  	_ =	shalt  }
0x49: {  	_ =	shalt  }
0x4a: {  	_ =	shalt  }
0x4b: {  	_ =	shalt  }
0x4c: {  	_ =	shalt  }
0x4d: {  	_ =	shalt  }
0x4e: {  	_ =	shalt  }
0x4f: {  	_ =	shalt  }
0x50: {  	_ =	shalt  }
0x51: {  	_ =	shalt  }
0x52: {  	_ =	shalt  }
0x53: {  	_ =	shalt  }
0x54: {  	_ =	shalt  }
0x55: {  	_ =	shalt  }
0x56: {  	_ =	shalt  }
0x57: {  	_ =	shalt  }
0x58: {  	_ =	shalt  }
0x59: {  	_ =	shalt  }
0x5a: {  	_ =	shalt  }
0x5b: {  	_ =	shalt  }
0x5c: {  	_ =	shalt  }
0x5d: {  	_ =	shalt  }
0x5e: {  	_ =	shalt  }
0x5f: {  	_ =	shalt  }
0x60: {  	_ =	shalt  }
0x61: {  	_ =	shalt  }
0x62: {  	_ =	shalt  }
0x63: {  	_ =	shalt  }
0x64: {  	_ =	shalt  }
0x65: {  	_ =	shalt  }
0x66: {  	_ =	shalt  }
0x67: {  	_ =	shalt  }
0x68: {  	_ =	shalt  }
0x69: {  	_ =	shalt  }
0x6a: {  	_ =	shalt  }
0x6b: {  	_ =	shalt  }
0x6c: {  	_ =	shalt  }
0x6d: {  	_ =	shalt  }
0x6e: {  	_ =	shalt  }
0x6f: {  	_ =	shalt  }
0x70: {  	_ =	shalt  }
0x71: {  	_ =	shalt  }
0x72: {  	_ =	shalt  }
0x73: {  	_ =	shalt  }
0x74: {  	_ =	shalt  }
0x75: {  	_ =	shalt  }
0x76: {  	_ =	shalt  }
0x77: {  	_ =	shalt  }
0x78: {  	_ =	shalt  }
0x79: {  	_ =	shalt  }
0x7a: {  	_ =	shalt  }
0x7b: {  	_ =	shalt  }
0x7c: {  	_ =	shalt  }
0x7d: {  	_ =	shalt  }
0x7e: {  	_ =	shalt  }
0x7f: {  	_ =	shalt  }
0x80: {  	_ =	shalt  }
0x81: {  	_ =	shalt  }
0x82: {  	_ =	shalt  }
0x83: {  	_ =	shalt  }
0x84: {  	_ =	shalt  }
0x85: {  	_ =	shalt  }
0x86: {  	_ =	shalt  }
0x87: {  	_ =	shalt  }
.Lfunc_end0:
.L_simem_size_0:
called_computation_lowered:
.L_overlay_start_0:
0x88: {  	s2 =	sld [smem:$0x3FD9]  }
0x89: {  	s3 =	sld [smem:$0x3FFE];
	_ =	sdelay $0x1  }
0x8a: {  	s1 =	srdreg.scid  }
0x8b: {  	s0 =	sand.u32 $0x1, s1  }
0x8c: {  	s17 =	sshll.u32 s0, $0xA;
	s2 =	sadd.s32 s3, s2  }
0x8d: {  	s2 =	sadd.s32 s2, s17  }
0x8e: {  	[smem:$0x3FC4] =	sst s2  }
0x8f: {  	_ = 	snop  }
0x90: {  	s2 =	sld [smem:$0x3FC9]  }
0x91: {  	s18 =	sld [smem:$0x3FD0];
	(tm) =	ssettm $0x1  }
0x92: {  	s4 =	sld [smem:$0x3FFB];
	_ =	sdelay $0x3  }
0x93: {  	_ =	strace s4  }
0x94: {  	s4 =	sld [smem:$0x3FFC];
	_ =	sdelay $0x3  }
0x95: {  	_ =	strace s4  }
0x96: {  	s4 =	sld [smem:$0x3FFD];
	_ =	sdelay $0x3  }
0x97: {  	_ =	strace s4  }
0x98: {  	_ =	strace $0x8FFFFFFF  }
0x99: {  	s19 =	sld [smem:$0x3FDB];
	_ =	sdelay $0x1  }
0x9a: {  	s5 =	simm.s32 $_scs_section_size  }
0x9b: {  	s6 =	simm.s32 $_size__tile_overlayer_lowered;
	s7 =	simm.s32 $_tile_overlayer_lowered  }
0x9c: {  	s22 =	simm.s32 $0x1BFF;
	s21 =	sshll.u32 s7, $0x1;
	s4 =	sadd.s32 s5, s19  }
0x9d: {  	s8 =	simm.s32 $0x0;
	s20 =	sshll.u32 s6, $0x1;
	s6 =	sadd.s32 s21, s4  }
0x9e: {  	[timem:s8], [sflag:s22] =	dma.local [hbm:s6], s20  }
0x9f: {  	_ =	swait.ge [sflag:s22], s20  }
0xa0: {  	s5 =	ssub.s32 $0x0, s20;
	[sflag:s22] =	ssyncset.done $0x0  }
0xa1: {  	[sflag:s22] =	ssyncadd.s32 s5;
	_ =	sdelay $0x1  }
0xa2: {  	s23 =	simm.s32 $0x1B8B  }
0xa3: {  	_ =	swait.ge [sflag:s23], $0x1  }
0xa4: {  	[sflag:s23] =	ssyncset.done $0x0  }
0xa5: {  	s25 =	simm.s32 $0x1B8E;
	s24 =	sld [smem:$0x3FFE];
	[sflag:s23] =	ssyncadd.s32 $0xFFFFFFFF  }
0xa6: {  	s26 =	simm.s32 $execute0_lowered;
	[smem:$0x3FD2] =	sst s25  }
0xa7: {  	s6 =	sshll.u32 s26, $0x1;
	_ =	strace $0x80000046;
	[dreg:$0x1] =	wrdreg $0xFFFFFFFF  }
0xa8: {  	s28 =	simm.s32 $_size_execute0_lowered;
	s4 =	sadd.s32 s4, s6;
	[dreg:$0x0] =	wrdreg $0x0  }
0xa9: {  	s6 =	sshll.u32 s28, $0x1;
	[dreg:$0x2] =	wrdreg s4  }
0xaa: {  	[dreg:$0x3] =	wrdreg s6  }
0xab: {  	[dreg:$0x4] =	wrdreg $0xC0  }
0xac: {  	_ =	task [dreg:s8], $0x5FFFF  }
0xad: {  	[dreg:$0x1] =	wrdreg $0xFFFFFFFF  }
0xae: {  	[dreg:$0x0] =	wrdreg $0x60  }
0xaf: {  	[dreg:$0x2] =	wrdreg s2  }
0xb0: {  	[dreg:$0x3] =	wrdreg s18  }
0xb1: {  	[dreg:$0x4] =	wrdreg s24  }
0xb2: {  	[dreg:$0x5] =	wrdreg $0x0  }
0xb3: {  	[dreg:$0x6] =	wrdreg $0x9  }
0xb4: {  	_ =	task.clear_ibuf [dreg:s8], $0x7FFFF;
	_ =	strace $0x90000046  }
0xb5: {  	s29 =	simm.s32 $0x9;
	_ =	strace $0x80000048  }
0xb6: {  	_ =	swait.ge [sflag:s29], $0x1  }
0xb7: {  	[sflag:s29] =	ssyncadd.s32 $0xFFFFFFFF  }
0xb8: {  	_ =	strace $0x90000048  }
0xb9: {  	_ =	sfence  }
0xba: {  	s30 =	sld [smem:$0x0];
	_ =	sdelay $0x2  }
0xbb: {  	s31 =	sshll.u32 s1, $0xD;
	s1 =	sshrl.u32 s1, $0x2  }
0xbc: {  	s3 =	sand.u32 $0x4000, s31;
	s1 =	sadd.s32 s1, s30  }
0xbd: {  	s0 =	sor.u32 s3, s0;
	s1 =	sshll.u32 s1, $0x11  }
0xbe: {  	s0 =	sor.u32 s1, s0  }
0xbf: {  	s0 =	sadd.s32 $0x8F2B, s0  }
0xc0: {  	[sflag:s0] =	ssyncadd.remote.s32 $0x1  }
0xc1: {  	_ =	sfence.sel $0xFFFF  }
0xc2: {  	[dreg:$0x0] =	wrdreg $0xFFFFFFFF;
	(pc) =	sbr.abs _section_cstart, $3  }
0xc3: {  	[dreg:$0x1] =	wrdreg $0xFFFFFFFF  }
0xc4: {  	_ =	task.clear_ibuf [dreg:s8], $0x2FFFF;
	_ =	strace $0x9FFFFFFF  }
0xc5: {  	(tm) =	ssettm $0x7FFFFFFF  }
tec
execute0_lowered:
.L_overlay_start_1:
0x0: {  	(tag) =	ssettag $0x1  }
0x1: {  	s1 =	rddreg [dreg:$0x0]  }
0x2: {  	s2 =	rddreg [dreg:$0x1]  }
0x3: {  	s7 =	rddreg [dreg:$0x2]  }
0x4: {  	s4 =	rddreg [dreg:$0x3];
	s5 =	simm.s32 $0x0;
	s3 =	stileid.u32  }
0x5: {  	s8 =	srdreg.scid;
	s17 =	simm.s32 $0x84;
	s18 =	simm.s32 $0x40  }
0x6: {  	s19 =	simm.s32 $0x13E00;
	s20 =	simm.s32 $0x13C80;
	s21 =	simm.s32 $0x15E00  }
0x7: {  	s22 =	simm.s32 $0x13D00;
	s23 =	simm.s32 $0x1;
	s24 =	simm.s32 $0x13D80  }
0x8: {  	s25 =	simm.s32 $0x2;
	[smem:$0x7FF] =	sst s5;
	s13 =	smul.u32 $0x2780, s3  }
0x9: {  	s6 =	sadd.s32 $0x1000, s7;
	s8 =	sand.u32 $0x1, s8;
	s11 =	smul.u32 $0x4F000, s3  }
0xa: {  	s12 =	sadd.s32 $0x32600, s7;
	s14 =	sadd.s32 $0x59E00, s7;
	s29 =	smul.u32 $0xB6, s3  }
0xb: {  	s30 =	sshll.u32 s3, $0x6;
	_ =	strace $0x80000047;
	s10 =	ssub.s32 $0x2, s8  }
0xc: {  	p0 =	seq.s32 s8, $0x0;
	s9 =	sadd.s32 s13, s7;
	s26 =	sshrl.u32 s10, $0x1  }
0xd: {  	s28 =	sshrl.u32 s11, $0x2;
	s8 =	sadd.s32 $0x840, s29;
	s17 =	simm.s32 @!p0 $0xB6  }
0xe: {  	s14 =	smov.u32 @p0 s12;
	s15 =	ssub.s32 s10, s26;
	s16 =	sadd.s32 s28, s4  }
0xf: {  	s7 =	sadd.s32 $0xAE00, s9;
	s9 =	smul.u32 $0x84, s3;
	s10 =	sadd.s32 $0xFFFFFFFF, s17  }
0x10: {  	s17 =	sshrl.u32 s17, $0x1;
	s13 =	sadd.s32 s14, s13;
	s26 =	simm.s32 $0x0  }
0x11: {  	s12 =	smax.u32 s15, $0x1;
	s14 =	sadd.s32 $0xFFFFFFFF, s17;
	s8 =	smov.u32 @p0 s9  }
0x12: {  	s15 =	sshrl.u32 s16, $0x3;
	s16 =	simm.s32 $0x3;
	s31 =	sshll.u32 s8, $0x3  }
0x13: {  	s17 =	simm.s32 $0x13C00;
	s9 =	sor.u32 $0x1C03, s30;
	s11 =	sadd.s32 s2, s31  }
.LBB2_1:
0x14: {  	[spmem:s15], [sflag:s9] =	dma.local [hbm:s7], $0x2780  }
0x15: {  	_ =	swait.ge [sflag:s16], $0x2780  }
0x16: {  	[sflag:s16] =	ssyncset.done $0x0  }
0x17: {  	[sflag:s16] =	ssyncadd.s32 $0xFFFFD880  }
0x18: {  	s28 =	simm.s32 $0x1;
	p1 =	sne.s32 s14, $0x1;
	[bflag:$0x0] =	sbarrier.arrive $0xFFFF  }
0x19: {  	[tilespmem:s17], [sflag:$0x3] =	stream.linear.gather [hbm4b:s11+s5], $0x40, $0x38;
	[tilespmem:$0x17E00] =	vst v63  }
.Ltmp0:
0x1a: {  	p0 =	sgt.s32 s10, $0x1;
	s29 =	smov.u32 s10;
	(pc) =	sbr.rel @!p1 .LBB2_2-.Ltmp0, $4  }
0x1b: {  	s29 =	smov.u32 @p0 s28;
	_ =	swait.ge [sflag:s16], $0x40  }
0x1c: {  	s28 =	sadd.s32 $0xFFFFFFFF, s14;
	s29 =	sadd.s32 s8, s29;
	[sflag:s16] =	ssyncset.done $0x0  }
0x1d: {  	p0 =	por $0x0, $0x0;
	s30 =	sshll.u32 s29, $0x3;
	[sflag:s16] =	ssyncadd.s32 $0xFFFFFFC0  }
0x1e: {  	[tilespmem:s19], [sflag:$0x1] =	stream.indirect.gather [hbm4b:s1+s18], $0x80, s17, s18, $0xb8;
	[tilespmem:$0x17E00] =	vst v63  }
0x1f: {  	s29 =	sand.u32 $0x1FFFFFF8, s30  }
0x20: {  	s31 =	sadd.s32 s2, s29  }
0x21: {  	[tilespmem:s20], [sflag:$0x3] =	stream.linear.gather [hbm4b:s31+s5], $0x40, $0x38;
	[tilespmem:$0x17E00] =	vst v63  }
0x22: {  	s30 =	simm.s32 $0x0;
	p0 =	sgt.s32 s10, $0x0;
	s31 =	smov.u32 s10  }
0x23: {  	_ =	swait.ge [sflag:s16], $0x40;
	s31 =	smov.u32 @p0 s30  }
0x24: {  	[sflag:s16] =	ssyncset.done $0x0;
	s30 =	sadd.s32 s8, s31  }
0x25: {  	[sflag:s16] =	ssyncadd.s32 $0xFFFFFFC0;
	s30 =	sshll.u32 s30, $0x3  }
0x26: {  	[tilespmem:s21], [sflag:$0x2] =	stream.indirect.gather [hbm4b:s1+s18], $0x80, s20, s18, $0xb8;
	[tilespmem:$0x17E00] =	vst v63  }
0x27: {  	s30 =	sand.u32 $0x1FFFFFF8, s30  }
0x28: {  	s30 =	sadd.s32 s6, s30  }
0x29: {  	[tilespmem:s22], [sflag:$0x3] =	stream.linear.gather [hbm4b:s30+s5], $0x40, $0x38;
	[tilespmem:$0x17E00] =	vst v63  }
0x2a: {  	_ =	swait.ge [sflag:s16], $0x40  }
0x2b: {  	[sflag:s16] =	ssyncset.done $0x0  }
0x2c: {  	[sflag:s16] =	ssyncadd.s32 $0xFFFFFFC0  }
0x2d: {  	p0 =	sgt.s32 s10, $0x2;
	s30 =	smov.u32 s10;
	_ =	swait.ge [sflag:s23], $0x2000  }
0x2e: {  	s30 =	smov.u32 @p0 s25;
	[sflag:s23] =	ssyncset.done $0x0  }
0x2f: {  	s30 =	sadd.s32 s8, s30;
	[sflag:s23] =	ssyncadd.s32 $0xFFFFE000  }
0x30: {  	[spmem:s4] =	stream.indirect.scatter.add.f32 [tilespmem:s19], [sflag:$0x3], $0x80, s22, s18, $0xb8;
	[tilespmem:$0x17E00] =	vst v63  }
0x31: {  	s30 =	sshll.u32 s30, $0x3;
	_ =	swait.ge [sflag:s16], $0x2000  }
0x32: {  	s30 =	sand.u32 $0x1FFFFFF8, s30;
	[sflag:s16] =	ssyncset.done $0x0  }
0x33: {  	s30 =	sadd.s32 s2, s30;
	[sflag:s16] =	ssyncadd.s32 $0xFFFFE000  }
0x34: {  	[tilespmem:s17], [sflag:$0x3] =	stream.linear.gather [hbm4b:s30+s5], $0x40, $0x38;
	[tilespmem:$0x17E00] =	vst v63  }
0x35: {  	_ =	swait.ge [sflag:s16], $0x40  }
0x36: {  	[sflag:s16] =	ssyncset.done $0x0  }
0x37: {  	[sflag:s16] =	ssyncadd.s32 $0xFFFFFFC0  }
0x38: {  	[tilespmem:s19], [sflag:$0x1] =	stream.indirect.gather [hbm4b:s1+s18], $0x80, s17, s18, $0xb8;
	[tilespmem:$0x17E00] =	vst v63  }
0x39: {  	p1 =	sne.s32 s28, $0x1;
	s29 =	sadd.s32 s6, s29;
	s31 =	smov.u32 s10  }
0x3a: {  	[tilespmem:s24], [sflag:$0x3] =	stream.linear.gather [hbm4b:s29+s5], $0x40, $0x38;
	[tilespmem:$0x17E00] =	vst v63  }
.Ltmp1:
0x3b: {  	p0 =	sgt.s32 s10, $0x3;
	s30 =	simm.s32 $0x3;
	(pc) =	sbr.rel @!p1 .LBB2_5-.Ltmp1, $4  }
0x3c: {  	s31 =	smov.u32 @p0 s30;
	_ =	swait.ge [sflag:s16], $0x40  }
0x3d: {  	s30 =	sadd.s32 s8, s31;
	[sflag:s16] =	ssyncset.done $0x0  }
0x3e: {  	p0 =	por $0x1, $0x1;
	s30 =	sshll.u32 s30, $0x3;
	[sflag:s16] =	ssyncadd.s32 $0xFFFFFFC0  }
0x3f: {  	s29 =	sadd.s32 $0xFFFFFFFF, s28;
	s28 =	simm.s32 $0x4;
	_ =	swait.ge [sflag:s25], $0x2000  }
.LBB2_4:
0x40: {  	p1 =	sne.s32 s29, $0x1;
	s30 =	sand.u32 $0x1FFFFFF8, s30;
	[sflag:s25] =	ssyncset.done $0x0  }
0x41: {  	s29 =	sadd.s32 $0xFFFFFFFF, s29;
	[sflag:s25] =	ssyncadd.s32 $0xFFFFE000  }
0x42: {  	[spmem:s4] =	stream.indirect.scatter.add.f32 [tilespmem:s21], [sflag:$0x3], $0x80, s24, s18, $0xb8;
	[tilespmem:$0x17E00] =	vst v63  }
0x43: {  	_ =	swait.ge [sflag:s16], $0x2000  }
0x44: {  	s31 =	sadd.s32 $0xFFFFFFFE, s28;
	s0 =	sadd.s32 s2, s30;
	[sflag:s16] =	ssyncset.done $0x0  }
0x45: {  	p2 =	slt.s32 s31, s10;
	[sflag:s16] =	ssyncadd.s32 $0xFFFFE000  }
0x46: {  	[tilespmem:s20], [sflag:$0x3] =	stream.linear.gather [hbm4b:s0+s5], $0x40, $0x38;
	[tilespmem:$0x17E00] =	vst v63  }
0x47: {  	s0 =	smov.u32 s10  }
0x48: {  	_ =	swait.ge [sflag:s16], $0x40;
	s0 =	smov.u32 @p2 s31  }
0x49: {  	[sflag:s16] =	ssyncset.done $0x0;
	s0 =	sadd.s32 s8, s0  }
0x4a: {  	[sflag:s16] =	ssyncadd.s32 $0xFFFFFFC0;
	s0 =	sshll.u32 s0, $0x3  }
0x4b: {  	[tilespmem:s21], [sflag:$0x2] =	stream.indirect.gather [hbm4b:s1+s18], $0x80, s20, s18, $0xb8;
	[tilespmem:$0x17E00] =	vst v63  }
0x4c: {  	s0 =	sand.u32 $0x1FFFFFF8, s0  }
0x4d: {  	s0 =	sadd.s32 s6, s0  }
0x4e: {  	[tilespmem:s22], [sflag:$0x3] =	stream.linear.gather [hbm4b:s0+s5], $0x40, $0x38;
	[tilespmem:$0x17E00] =	vst v63  }
0x4f: {  	_ =	swait.ge [sflag:s16], $0x40  }
0x50: {  	[sflag:s16] =	ssyncset.done $0x0  }
0x51: {  	[sflag:s16] =	ssyncadd.s32 $0xFFFFFFC0  }
0x52: {  	p2 =	slt.s32 s28, s10;
	s0 =	smov.u32 s10;
	_ =	swait.ge [sflag:s23], $0x2000  }
0x53: {  	s0 =	smov.u32 @p2 s28;
	[sflag:s23] =	ssyncset.done $0x0  }
0x54: {  	s0 =	sadd.s32 s8, s0;
	[sflag:s23] =	ssyncadd.s32 $0xFFFFE000  }
0x55: {  	[spmem:s4] =	stream.indirect.scatter.add.f32 [tilespmem:s19], [sflag:$0x3], $0x80, s22, s18, $0xb8;
	[tilespmem:$0x17E00] =	vst v63  }
0x56: {  	s0 =	sshll.u32 s0, $0x3;
	_ =	swait.ge [sflag:s16], $0x2000  }
0x57: {  	s0 =	sand.u32 $0x1FFFFFF8, s0;
	[sflag:s16] =	ssyncset.done $0x0  }
0x58: {  	s0 =	sadd.s32 s2, s0;
	[sflag:s16] =	ssyncadd.s32 $0xFFFFE000  }
0x59: {  	[tilespmem:s17], [sflag:$0x3] =	stream.linear.gather [hbm4b:s0+s5], $0x40, $0x38;
	[tilespmem:$0x17E00] =	vst v63  }
0x5a: {  	_ =	swait.ge [sflag:s16], $0x40  }
0x5b: {  	[sflag:s16] =	ssyncset.done $0x0  }
0x5c: {  	s28 =	sadd.s32 $0x2, s28;
	s0 =	sadd.s32 s6, s30;
	[sflag:s16] =	ssyncadd.s32 $0xFFFFFFC0  }
0x5d: {  	[tilespmem:s19], [sflag:$0x1] =	stream.indirect.gather [hbm4b:s1+s18], $0x80, s17, s18, $0xb8;
	[tilespmem:$0x17E00] =	vst v63  }
0x5e: {  	s30 =	sadd.s32 $0xFFFFFFFF, s28  }
0x5f: {  	[tilespmem:s24], [sflag:$0x3] =	stream.linear.gather [hbm4b:s0+s5], $0x40, $0x38;
	[tilespmem:$0x17E00] =	vst v63  }
.Ltmp2:
0x60: {  	_ = 	snop;
	(pc) =	sbr.rel @p1 .LBB2_4-.Ltmp2, $4  }
0x61: {  	p2 =	slt.s32 s30, s10;
	s0 =	smov.u32 s10;
	_ =	swait.ge [sflag:s16], $0x40  }
0x62: {  	s0 =	smov.u32 @p2 s30;
	[sflag:s16] =	ssyncset.done $0x0  }
0x63: {  	s0 =	sadd.s32 s8, s0;
	[sflag:s16] =	ssyncadd.s32 $0xFFFFFFC0  }
0x64: {  	s30 =	sshll.u32 s0, $0x3;
	_ =	swait.ge [sflag:s25], $0x2000  }
.LBB2_5:
0x65: {  	[sflag:s25] =	ssyncset.done @p0 $0x0  }
0x66: {  	[sflag:s25] =	ssyncadd.s32 @p0 $0xFFFFE000  }
0x67: {  	[spmem:s4] =	stream.indirect.scatter.add.f32 @p0 [tilespmem:s21], [sflag:$0x3], $0x80, s24, s18, $0xb8;
	[tilespmem:$0x17E00] =	vst v63  }
0x68: {  	_ =	swait.ge @p0 [sflag:s16], $0x2000  }
0x69: {  	s0 =	sand.u32 $0x1FFFFFF8, s30;
	[sflag:s16] =	ssyncset.done @p0 $0x0  }
0x6a: {  	s29 =	sadd.s32 $0xFFFFFFFE, s28;
	s30 =	sadd.s32 s2, s0;
	[sflag:s16] =	ssyncadd.s32 @p0 $0xFFFFE000  }
0x6b: {  	[tilespmem:s20], [sflag:$0x3] =	stream.linear.gather [hbm4b:s30+s5], $0x40, $0x38;
	[tilespmem:$0x17E00] =	vst v63  }
0x6c: {  	p1 =	slt.s32 s29, s10;
	s30 =	smov.u32 s10  }
0x6d: {  	_ =	swait.ge [sflag:s16], $0x40;
	s30 =	smov.u32 @p1 s29  }
0x6e: {  	[sflag:s16] =	ssyncset.done $0x0;
	s29 =	sadd.s32 s8, s30  }
0x6f: {  	[sflag:s16] =	ssyncadd.s32 $0xFFFFFFC0;
	s29 =	sshll.u32 s29, $0x3  }
0x70: {  	[tilespmem:s21], [sflag:$0x2] =	stream.indirect.gather [hbm4b:s1+s18], $0x80, s20, s18, $0xb8;
	[tilespmem:$0x17E00] =	vst v63  }
0x71: {  	s29 =	sand.u32 $0x1FFFFFF8, s29  }
0x72: {  	s29 =	sadd.s32 s6, s29  }
0x73: {  	[tilespmem:s22], [sflag:$0x3] =	stream.linear.gather [hbm4b:s29+s5], $0x40, $0x38;
	[tilespmem:$0x17E00] =	vst v63  }
0x74: {  	_ =	swait.ge [sflag:s16], $0x40  }
0x75: {  	[sflag:s16] =	ssyncset.done $0x0  }
0x76: {  	[sflag:s16] =	ssyncadd.s32 $0xFFFFFFC0  }
0x77: {  	p0 =	slt.s32 s28, s10;
	s29 =	smov.u32 s10;
	_ =	swait.ge [sflag:s23], $0x2000  }
0x78: {  	s29 =	smov.u32 @p0 s28;
	[sflag:s23] =	ssyncset.done $0x0  }
0x79: {  	s29 =	sadd.s32 s8, s29;
	[sflag:s23] =	ssyncadd.s32 $0xFFFFE000  }
0x7a: {  	[spmem:s4] =	stream.indirect.scatter.add.f32 [tilespmem:s19], [sflag:$0x3], $0x80, s22, s18, $0xb8;
	[tilespmem:$0x17E00] =	vst v63  }
0x7b: {  	s29 =	sshll.u32 s29, $0x3;
	_ =	swait.ge [sflag:s16], $0x2000  }
0x7c: {  	s29 =	sand.u32 $0x1FFFFFF8, s29;
	[sflag:s16] =	ssyncset.done $0x0  }
0x7d: {  	s31 =	sadd.s32 s2, s29;
	[sflag:s16] =	ssyncadd.s32 $0xFFFFE000  }
0x7e: {  	[tilespmem:s17], [sflag:$0x3] =	stream.linear.gather [hbm4b:s31+s5], $0x40, $0x38;
	[tilespmem:$0x17E00] =	vst v63  }
0x7f: {  	_ =	swait.ge [sflag:s16], $0x40  }
0x80: {  	[sflag:s16] =	ssyncset.done $0x0  }
0x81: {  	[sflag:s16] =	ssyncadd.s32 $0xFFFFFFC0  }
0x82: {  	[tilespmem:s19], [sflag:$0x1] =	stream.indirect.gather [hbm4b:s1+s18], $0x80, s17, s18, $0xb8;
	[tilespmem:$0x17E00] =	vst v63  }
0x83: {  	s0 =	sadd.s32 s6, s0  }
0x84: {  	[tilespmem:s24], [sflag:$0x3] =	stream.linear.gather [hbm4b:s0+s5], $0x40, $0x38;
	[tilespmem:$0x17E00] =	vst v63  }
0x85: {  	_ =	swait.ge [sflag:s16], $0x40  }
0x86: {  	s0 =	sadd.s32 $0x2, s28;
	[sflag:s16] =	ssyncset.done $0x0  }
0x87: {  	s28 =	sadd.s32 $0xFFFFFFFF, s0;
	[sflag:s16] =	ssyncadd.s32 $0xFFFFFFC0  }
0x88: {  	s30 =	smov.u32 s10;
	p0 =	slt.s32 s28, s10;
	_ =	swait.ge [sflag:s25], $0x2000  }
0x89: {  	s30 =	smov.u32 @p0 s28;
	[sflag:s25] =	ssyncset.done $0x0  }
0x8a: {  	s28 =	sadd.s32 s8, s30;
	[sflag:s25] =	ssyncadd.s32 $0xFFFFE000  }
0x8b: {  	[spmem:s4] =	stream.indirect.scatter.add.f32 [tilespmem:s21], [sflag:$0x3], $0x80, s24, s18, $0xb8;
	[tilespmem:$0x17E00] =	vst v63  }
0x8c: {  	s28 =	sshll.u32 s28, $0x3;
	_ =	swait.ge [sflag:s16], $0x2000  }
0x8d: {  	s28 =	sand.u32 $0x1FFFFFF8, s28;
	[sflag:s16] =	ssyncset.done $0x0  }
0x8e: {  	s31 =	sadd.s32 s2, s28;
	[sflag:s16] =	ssyncadd.s32 $0xFFFFE000  }
0x8f: {  	[tilespmem:s20], [sflag:$0x3] =	stream.linear.gather [hbm4b:s31+s5], $0x40, $0x38;
	[tilespmem:$0x17E00] =	vst v63  }
0x90: {  	_ =	swait.ge [sflag:s16], $0x40  }
0x91: {  	[sflag:s16] =	ssyncset.done $0x0  }
0x92: {  	[sflag:s16] =	ssyncadd.s32 $0xFFFFFFC0  }
0x93: {  	[tilespmem:s21], [sflag:$0x2] =	stream.indirect.gather [hbm4b:s1+s18], $0x80, s20, s18, $0xb8;
	[tilespmem:$0x17E00] =	vst v63  }
0x94: {  	s29 =	sadd.s32 s6, s29  }
0x95: {  	[tilespmem:s22], [sflag:$0x3] =	stream.linear.gather [hbm4b:s29+s5], $0x40, $0x38;
	[tilespmem:$0x17E00] =	vst v63  }
0x96: {  	_ =	swait.ge [sflag:s16], $0x40  }
0x97: {  	[sflag:s16] =	ssyncset.done $0x0  }
0x98: {  	[sflag:s16] =	ssyncadd.s32 $0xFFFFFFC0  }
0x99: {  	p0 =	slt.s32 s0, s10;
	s29 =	smov.u32 s10;
	_ =	swait.ge [sflag:s23], $0x2000  }
0x9a: {  	s29 =	smov.u32 @p0 s0;
	[sflag:s23] =	ssyncset.done $0x0  }
0x9b: {  	s0 =	sadd.s32 s8, s29;
	[sflag:s23] =	ssyncadd.s32 $0xFFFFE000  }
0x9c: {  	[spmem:s4] =	stream.indirect.scatter.add.f32 [tilespmem:s19], [sflag:$0x3], $0x80, s22, s18, $0xb8;
	[tilespmem:$0x17E00] =	vst v63  }
0x9d: {  	s0 =	sshll.u32 s0, $0x3;
	_ =	swait.ge [sflag:s16], $0x2000  }
0x9e: {  	s0 =	sand.u32 $0x1FFFFFF8, s0;
	[sflag:s16] =	ssyncset.done $0x0  }
0x9f: {  	s0 =	sadd.s32 s2, s0;
	[sflag:s16] =	ssyncadd.s32 $0xFFFFE000  }
0xa0: {  	[tilespmem:s17], [sflag:$0x3] =	stream.linear.gather [hbm4b:s0+s5], $0x40, $0x38;
	[tilespmem:$0x17E00] =	vst v63  }
0xa1: {  	_ =	swait.ge [sflag:s16], $0x40  }
0xa2: {  	[sflag:s16] =	ssyncset.done $0x0  }
0xa3: {  	[sflag:s16] =	ssyncadd.s32 $0xFFFFFFC0  }
0xa4: {  	[tilespmem:s19], [sflag:$0x1] =	stream.indirect.gather [hbm4b:s1+s18], $0x80, s17, s18, $0xb8;
	[tilespmem:$0x17E00] =	vst v63  }
0xa5: {  	s31 =	sadd.s32 s6, s28  }
0xa6: {  	[tilespmem:s24], [sflag:$0x3] =	stream.linear.gather [hbm4b:s31+s5], $0x40, $0x38;
	[tilespmem:$0x17E00] =	vst v63  }
0xa7: {  	_ =	swait.ge [sflag:s16], $0x40  }
0xa8: {  	[sflag:s16] =	ssyncset.done $0x0  }
0xa9: {  	[sflag:s16] =	ssyncadd.s32 $0xFFFFFFC0  }
0xaa: {  	_ =	swait.ge [sflag:s25], $0x2000  }
0xab: {  	[sflag:s25] =	ssyncset.done $0x0  }
0xac: {  	[sflag:s25] =	ssyncadd.s32 $0xFFFFE000  }
0xad: {  	[spmem:s4] =	stream.indirect.scatter.add.f32 [tilespmem:s21], [sflag:$0x3], $0x80, s24, s18, $0xb8;
	[tilespmem:$0x17E00] =	vst v63  }
0xae: {  	_ =	swait.ge [sflag:s16], $0x2000  }
0xaf: {  	[sflag:s16] =	ssyncset.done $0x0  }
0xb0: {  	[sflag:s16] =	ssyncadd.s32 $0xFFFFE000  }
0xb1: {  	_ =	swait.ge [sflag:s23], $0x2000  }
0xb2: {  	[sflag:s23] =	ssyncset.done $0x0  }
0xb3: {  	s26 =	sadd.s32 $0x1, s26;
	[sflag:s23] =	ssyncadd.s32 $0xFFFFE000  }
0xb4: {  	p0 =	sne.s32 s26, s12;
	[bflag:$0x0] =	sbarrier.arrive $0xFFFF  }
0xb5: {  	[hbm:s13], [sflag:s9] =	dma.local [spmem:s15], $0x2780  }
.Ltmp3:
0xb6: {  	_ = 	snop;
	(pc) =	sbr.rel @p0 .LBB2_1-.Ltmp3, $4  }
.Ltmp4:
0xb7: {  	_ = 	snop;
	(pc) =	sbr.rel @!p0 .LBB2_6-.Ltmp4, $4  }
0xb8: {  	_ =	swait.ge [sflag:s16], $0x2780  }
0xb9: {  	[sflag:s16] =	ssyncset.done $0x0  }
0xba: {  	[sflag:s16] =	ssyncadd.s32 $0xFFFFD880  }
0xbb: {  	_ = 	snop  }
.LBB2_2:
.Ltmp5:
0xbc: {  	(pc) =	sbr.rel .LBB2_5-.Ltmp5, $2  }
0xbd: {  	_ =	sdelay $0x2  }
0xbe: {  	s28 =	simm.s32 $0x2  }
.LBB2_6:
0xbf: {  	_ =	sfence.sel $0x180000  }
0xc0: {  	[bflag:$0x0] =	sbarrier.arrive $0xFFFF  }
0xc1: {  	_ =	strace $0x90000047  }
0xc2: {  	[bflag:$0x2] =	sbarrier.arrive $0xFFFF  }
0xc3: {  	p0 =	sne.s32 s3, $0x0;
	s0 =	rddreg [dreg:$0x4]  }
0xc4: {  	s0 =	sadd.s32 @!p0 $0x100000, s0  }
0xc5: {  	[sflag:s0] =	ssyncadd.tile.s32 @!p0 $0x1;
	_ =	shalt  }
.Lfunc_end2:
_tile_overlayer_lowered:
.L_overlay_start_2:
0xc6: {  	(tag) =	ssettag $0x2  }
0xc7: {  	s0 =	rddreg [dreg:$0x0];
	s2 =	stileid.u32  }
0xc8: {  	s1 =	rddreg [dreg:$0x1];
	p0 =	sne.s32 s2, $0x0  }
0xc9: {  	s3 =	rddreg [dreg:$0x2];
	[bflag:$0x3] =	sbarrier.arrive $0xFFFF;
	s2 =	simm.s32 @!p0 $0x1C03  }
0xca: {  	[timem:s3], [sflag:s2] =	dma.local @!p0 [hbm:s0], s1  }
0xcb: {  	s0 =	simm.s32 @!p0 $0x3  }
0xcc: {  	_ =	swait.ge @!p0 [sflag:s0], s1  }
0xcd: {  	s1 =	ssub.s32 @!p0 $0x0, s1;
	[sflag:s0] =	ssyncset.done @!p0 $0x0  }
0xce: {  	[sflag:s0] =	ssyncadd.s32 @!p0 s1  }
0xcf: {  	[bflag:$0x3] =	sbarrier.arrive $0xFFFF  }
0xd0: {  	_ =	shalt  }

</sc_bundles>
